<compile_context>
chip_gen: v7x
topology: tpu7x:2x2x1
jax: 0.10.2.dev20260603
libtpu: 0.0.44.dev20260713+nightly
codegen_flags: <defaults>
</compile_context>

<pallas_src>
import jax
import jax.numpy as jnp
from jax import lax
from jax.experimental import pallas as pl
from jax.experimental.pallas import tpu as pltpu
from jax.experimental.pallas import tpu_sc as plsc

D = 4
TOPK = 64
N_TOK = 1024

NC = 2
L = 16
NCHUNK = N_TOK // L

FPB = 8


def _a_body(x_ref, wk_ref, wq_ref, a_ref, s_ref):
    for b in range(FPB):
        x = x_ref[b]
        k = jnp.dot(x, wk_ref[...], preferred_element_type=jnp.float32)
        q = jnp.dot(x, wq_ref[...], preferred_element_type=jnp.float32)
        ks = k * jnp.float32(1.0 / 16.0)
        s = jax.lax.dot_general(ks, q, (((1,), (1,)), ((), ())),
                                preferred_element_type=jnp.float32)
        s_ref[...] = s
        m = jnp.max(s, axis=1, keepdims=True)
        e = jnp.exp(s_ref[...] - m)
        z = jnp.sum(e, axis=1, keepdims=True)
        p = e * (jnp.float32(1.0) / z)
        a_ref[b] = jnp.sum(p, axis=0, keepdims=True)


def _sc_topk_gather(a_hbm, xf_hbm, out_hbm, a_v, cm_v, idx_v, rows_v, sem):
    f = lax.axis_index("s") * NC + lax.axis_index("c")
    iota16 = lax.iota(jnp.int32, L)
    lane0 = iota16 == 0
    neg_inf = jnp.full((L,), -jnp.inf, jnp.float32)

    pltpu.sync_copy(a_hbm.at[pl.ds(f * N_TOK, N_TOK)], a_v)

    for g in range(NCHUNK // L):
        base = (g * L + iota16) * L
        m_g = neg_inf
        for kk in range(L):
            m_g = jnp.maximum(m_g, plsc.load_gather(a_v, [base + kk]))
        cm_v[g * L:(g + 1) * L] = m_g

    def sel_body(i, carry):
        c0 = cm_v[0:16]
        c1 = cm_v[16:32]
        c2 = cm_v[32:48]
        c3 = cm_v[48:64]
        vm = jnp.maximum(jnp.maximum(c0, c1), jnp.maximum(c2, c3))
        gm = jnp.max(vm)
        gmv = jnp.full((L,), gm)
        f0 = plsc.all_reduce_ffs(c0 == gmv)
        f1 = plsc.all_reduce_ffs(c1 == gmv)
        f2 = plsc.all_reduce_ffs(c2 == gmv)
        f3 = plsc.all_reduce_ffs(c3 == gmv)
        c_star = jnp.where(
            f0 < L, f0,
            jnp.where(f1 < L, L + f1,
                      jnp.where(f2 < L, 2 * L + f2, 3 * L + f3)))
        cidx = c_star * L + iota16
        chunk = plsc.load_gather(a_v, [cidx])
        l_v = plsc.all_reduce_ffs(chunk == gmv)
        j_v = c_star * L + l_v
        plsc.store_scatter(idx_v, [jnp.full((L,), i, jnp.int32)],
                           f * N_TOK + j_v, mask=lane0)
        plsc.store_scatter(a_v, [j_v], neg_inf, mask=lane0)
        chunk2 = plsc.load_gather(a_v, [cidx])
        nm = jnp.max(chunk2)
        plsc.store_scatter(cm_v, [c_star], jnp.full((L,), nm), mask=lane0)
        return carry

    lax.fori_loop(0, TOPK, sel_body, jnp.int32(0))

    pltpu.async_copy(xf_hbm.at[idx_v], rows_v, sem).wait()
    pltpu.sync_copy(rows_v, out_hbm.at[pl.ds(f * TOPK, TOPK)])


def kernel(x, wk, wq):
    N, T, n, d_in = x.shape
    xf = x.reshape(N * T, n, d_in)
    a3 = pl.pallas_call(
        _a_body,
        grid=(N * T // FPB,),
        in_specs=[
            pl.BlockSpec((FPB, n, d_in), lambda i: (i, 0, 0)),
            pl.BlockSpec((d_in, D), lambda i: (0, 0)),
            pl.BlockSpec((d_in, D), lambda i: (0, 0)),
        ],
        out_specs=pl.BlockSpec((FPB, 1, n), lambda i: (i, 0, 0)),
        out_shape=jax.ShapeDtypeStruct((N * T, 1, n), jnp.float32),
        scratch_shapes=[pltpu.VMEM((n, n), jnp.float32)],
        compiler_params=pltpu.CompilerParams(
            dimension_semantics=("parallel",)),
    )(xf, wk, wq)
    a_flat = a3.reshape(N * T * n)

    mesh = plsc.VectorSubcoreMesh(core_axis_name="c", subcore_axis_name="s")
    sc_fn = pl.kernel(
        _sc_topk_gather,
        out_type=jax.ShapeDtypeStruct((N * T * TOPK, d_in), jnp.float32),
        mesh=mesh,
        compiler_params=pltpu.CompilerParams(needs_layout_passes=False),
        scratch_types=[
            pltpu.VMEM((n,), jnp.float32),
            pltpu.VMEM((NCHUNK,), jnp.float32),
            pltpu.VMEM((TOPK,), jnp.int32),
            pltpu.VMEM((TOPK, d_in), jnp.float32),
            pltpu.SemaphoreType.DMA,
        ],
    )
    out = sc_fn(a_flat, xf.reshape(N * T * n, d_in))
    return out.reshape(N, T, TOPK, d_in)

# --- scband reference (transcript-rebuilt; emitter-appended) ---
"""Pipeline reference for scband-sparse-attention-3118146257661 (READ-ONLY COPY).

The authoritative reference and input builder live on the scoring server;
editing this copy changes nothing except your own understanding.
"""

import jax, jax.numpy as jnp
import numpy as np

D_IN = 256
D = 4
TOPK = 64

def setup_inputs(seed: int = 0):
    key = jax.random.key(seed)
    k1, k2, k3 = jax.random.split(key, 3)
    x = jax.random.normal(k1, (4, 8, 1024, D_IN), dtype=jnp.float32)
    wk = jax.random.normal(k2, (D_IN, D), dtype=jnp.float32)
    wq = jax.random.normal(k3, (D_IN, D), dtype=jnp.float32)
    return {"x": x, "wk": wk, "wq": wq}

def reference(x, wk, wq):
    N, T, n, d_in = x.shape
    xf = x.reshape(N * T, n, d_in)
    scale = 1.0 / jnp.sqrt(jnp.float32(d_in))
    kproj = jnp.matmul(xf, wk)
    qproj = jnp.matmul(xf, wq)
    h = jnp.matmul(kproj, jnp.swapaxes(qproj, 1, 2))
    A = jax.nn.softmax(scale * h, axis=-1).sum(axis=-2)
    idxs = jnp.argsort(-A, axis=-1)[:, :TOPK]
    out = jnp.take_along_axis(xf, idxs[:, :, None], axis=1)
    return out.reshape(N, T, TOPK, d_in)

if __name__ == "__main__":
    import jax
    _d = setup_inputs()
    print(jax.jit(kernel)(*tuple(_d.values())))

</pallas_src>

<mosaic_0001>
#map = affine_map<(d0, d1) -> (0)>
#map1 = affine_map<(d0, d1) -> (0, 0)>
module attributes {stable_mosaic.version = 14 : i64} {
  func.func @_sc_topk_gather(%arg0: i32, %arg1: i32, %arg2: memref<32768xf32, #tpu.memory_space<hbm>>, %arg3: memref<32768x256xf32, #tpu.memory_space<hbm>>, %arg4: memref<2048x256xf32, #tpu.memory_space<hbm>>, %arg5: memref<1024xf32, #tpu.memory_space<vmem>>, %arg6: memref<64xf32, #tpu.memory_space<vmem>>, %arg7: memref<64xi32, #tpu.memory_space<vmem>>, %arg8: memref<64x256xf32, #tpu.memory_space<vmem>>, %arg9: memref<!tpu.dma_semaphore, #tpu.memory_space<semaphore_mem>>) attributes {dimension_semantics = [#tpu.dimension_semantics<core_parallel>, #tpu.dimension_semantics<subcore_parallel>], iteration_bounds = array<i64: 2, 16>, scalar_prefetch = 0 : i64, scratch_operands = 5 : i64, tpu.core_type = #tpu.core_type<sc_vector_subcore>, window_params = [{transform_indices = #map}, {transform_indices = #map1}, {transform_indices = #map1}]} {
    %mul3A = arith.constant 2 : i32
    %mul3A_0 = arith.muli %arg1, %mul3A : i32
    %add3A = arith.addi %mul3A_0, %arg0 : i32
    %iota3A = tpu.iota {dimensions = array<i32: 0>} : vector<16xi32>
    %eq3A = arith.constant 0 : i32
    %eq3A_1 = vector.broadcast %eq3A : i32 to vector<16xi32>
    %eq3A_2 = arith.cmpi eq, %iota3A, %eq3A_1 : vector<16xi32>
    %broadcast_in_dim3A = arith.constant 0xFF800000 : f32
    %broadcast_in_dim3A_3 = vector.broadcast %broadcast_in_dim3A : f32 to vector<16xf32>
    %mul3A_4 = arith.constant 1024 : i32
    %mul3A_5 = arith.muli %add3A, %mul3A_4 : i32
    "tpu.region"() ({
      %run_scoped3A = tpu.sem_alloc : memref<!tpu.dma_semaphore, #tpu.memory_space<semaphore_mem>>
      %dma_start3A_366 = tpu.memref_slice %arg2[%mul3A_5] : memref<32768xf32, #tpu.memory_space<hbm>> -> memref<1024xf32, #tpu.memory_space<hbm>>
      %dma_start3A_367 = tpu.memref_slice %arg2[%mul3A_5] : memref<32768xf32, #tpu.memory_space<hbm>> -> memref<1024xf32, #tpu.memory_space<hbm>>
      tpu.enqueue_dma source(%dma_start3A_367 : memref<1024xf32, #tpu.memory_space<hbm>>) target(%arg5 : memref<1024xf32, #tpu.memory_space<vmem>>) target_semaphore(%run_scoped3A : memref<!tpu.dma_semaphore, #tpu.memory_space<semaphore_mem>>)
      %dma_wait3A_368 = tpu.memref_slice %arg2[%mul3A_5] : memref<32768xf32, #tpu.memory_space<hbm>> -> memref<1024xf32, #tpu.memory_space<hbm>>
      %dma_wait3A_369 = tpu.memref_slice %arg2[%mul3A_5] : memref<32768xf32, #tpu.memory_space<hbm>> -> memref<1024xf32, #tpu.memory_space<hbm>>
      tpu.wait_dma2 semaphore(%run_scoped3A : memref<!tpu.dma_semaphore, #tpu.memory_space<semaphore_mem>>) src(%dma_wait3A_369 : memref<1024xf32, #tpu.memory_space<hbm>>) dst(%arg5 : memref<1024xf32, #tpu.memory_space<vmem>>)
      tpu.yield
    }) : () -> ()
    %add3A_6 = arith.constant 0 : i32
    %add3A_7 = vector.broadcast %add3A_6 : i32 to vector<16xi32>
    %add3A_8 = arith.addi %add3A_7, %iota3A : vector<16xi32>
    %mul3A_9 = arith.constant 16 : i32
    %mul3A_10 = vector.broadcast %mul3A_9 : i32 to vector<16xi32>
    %mul3A_11 = arith.muli %add3A_8, %mul3A_10 : vector<16xi32>
    %add3A_12 = arith.constant 0 : i32
    %add3A_13 = vector.broadcast %add3A_12 : i32 to vector<16xi32>
    %add3A_14 = arith.addi %mul3A_11, %add3A_13 : vector<16xi32>
    %gather3A = tpu.vector_load_idx %arg5[%add3A_14] : memref<1024xf32, #tpu.memory_space<vmem>>[vector<16xi32>], vector<16xf32>,
    %max3A = arith.maximumf %broadcast_in_dim3A_3, %gather3A : vector<16xf32>
    %add3A_15 = arith.constant 1 : i32
    %add3A_16 = vector.broadcast %add3A_15 : i32 to vector<16xi32>
    %add3A_17 = arith.addi %mul3A_11, %add3A_16 : vector<16xi32>
    %gather3A_18 = tpu.vector_load_idx %arg5[%add3A_17] : memref<1024xf32, #tpu.memory_space<vmem>>[vector<16xi32>], vector<16xf32>,
    %max3A_19 = arith.maximumf %max3A, %gather3A_18 : vector<16xf32>
    %add3A_20 = arith.constant 2 : i32
    %add3A_21 = vector.broadcast %add3A_20 : i32 to vector<16xi32>
    %add3A_22 = arith.addi %mul3A_11, %add3A_21 : vector<16xi32>
    %gather3A_23 = tpu.vector_load_idx %arg5[%add3A_22] : memref<1024xf32, #tpu.memory_space<vmem>>[vector<16xi32>], vector<16xf32>,
    %max3A_24 = arith.maximumf %max3A_19, %gather3A_23 : vector<16xf32>
    %add3A_25 = arith.constant 3 : i32
    %add3A_26 = vector.broadcast %add3A_25 : i32 to vector<16xi32>
    %add3A_27 = arith.addi %mul3A_11, %add3A_26 : vector<16xi32>
    %gather3A_28 = tpu.vector_load_idx %arg5[%add3A_27] : memref<1024xf32, #tpu.memory_space<vmem>>[vector<16xi32>], vector<16xf32>,
    %max3A_29 = arith.maximumf %max3A_24, %gather3A_28 : vector<16xf32>
    %add3A_30 = arith.constant 4 : i32
    %add3A_31 = vector.broadcast %add3A_30 : i32 to vector<16xi32>
    %add3A_32 = arith.addi %mul3A_11, %add3A_31 : vector<16xi32>
    %gather3A_33 = tpu.vector_load_idx %arg5[%add3A_32] : memref<1024xf32, #tpu.memory_space<vmem>>[vector<16xi32>], vector<16xf32>,
    %max3A_34 = arith.maximumf %max3A_29, %gather3A_33 : vector<16xf32>
    %add3A_35 = arith.constant 5 : i32
    %add3A_36 = vector.broadcast %add3A_35 : i32 to vector<16xi32>
    %add3A_37 = arith.addi %mul3A_11, %add3A_36 : vector<16xi32>
    %gather3A_38 = tpu.vector_load_idx %arg5[%add3A_37] : memref<1024xf32, #tpu.memory_space<vmem>>[vector<16xi32>], vector<16xf32>,
    %max3A_39 = arith.maximumf %max3A_34, %gather3A_38 : vector<16xf32>
    %add3A_40 = arith.constant 6 : i32
    %add3A_41 = vector.broadcast %add3A_40 : i32 to vector<16xi32>
    %add3A_42 = arith.addi %mul3A_11, %add3A_41 : vector<16xi32>
    %gather3A_43 = tpu.vector_load_idx %arg5[%add3A_42] : memref<1024xf32, #tpu.memory_space<vmem>>[vector<16xi32>], vector<16xf32>,
    %max3A_44 = arith.maximumf %max3A_39, %gather3A_43 : vector<16xf32>
    %add3A_45 = arith.constant 7 : i32
    %add3A_46 = vector.broadcast %add3A_45 : i32 to vector<16xi32>
    %add3A_47 = arith.addi %mul3A_11, %add3A_46 : vector<16xi32>
    %gather3A_48 = tpu.vector_load_idx %arg5[%add3A_47] : memref<1024xf32, #tpu.memory_space<vmem>>[vector<16xi32>], vector<16xf32>,
    %max3A_49 = arith.maximumf %max3A_44, %gather3A_48 : vector<16xf32>
    %add3A_50 = arith.constant 8 : i32
    %add3A_51 = vector.broadcast %add3A_50 : i32 to vector<16xi32>
    %add3A_52 = arith.addi %mul3A_11, %add3A_51 : vector<16xi32>
    %gather3A_53 = tpu.vector_load_idx %arg5[%add3A_52] : memref<1024xf32, #tpu.memory_space<vmem>>[vector<16xi32>], vector<16xf32>,
    %max3A_54 = arith.maximumf %max3A_49, %gather3A_53 : vector<16xf32>
    %add3A_55 = arith.constant 9 : i32
    %add3A_56 = vector.broadcast %add3A_55 : i32 to vector<16xi32>
    %add3A_57 = arith.addi %mul3A_11, %add3A_56 : vector<16xi32>
    %gather3A_58 = tpu.vector_load_idx %arg5[%add3A_57] : memref<1024xf32, #tpu.memory_space<vmem>>[vector<16xi32>], vector<16xf32>,
    %max3A_59 = arith.maximumf %max3A_54, %gather3A_58 : vector<16xf32>
    %add3A_60 = arith.constant 10 : i32
    %add3A_61 = vector.broadcast %add3A_60 : i32 to vector<16xi32>
    %add3A_62 = arith.addi %mul3A_11, %add3A_61 : vector<16xi32>
    %gather3A_63 = tpu.vector_load_idx %arg5[%add3A_62] : memref<1024xf32, #tpu.memory_space<vmem>>[vector<16xi32>], vector<16xf32>,
    %max3A_64 = arith.maximumf %max3A_59, %gather3A_63 : vector<16xf32>
    %add3A_65 = arith.constant 11 : i32
    %add3A_66 = vector.broadcast %add3A_65 : i32 to vector<16xi32>
    %add3A_67 = arith.addi %mul3A_11, %add3A_66 : vector<16xi32>
    %gather3A_68 = tpu.vector_load_idx %arg5[%add3A_67] : memref<1024xf32, #tpu.memory_space<vmem>>[vector<16xi32>], vector<16xf32>,
    %max3A_69 = arith.maximumf %max3A_64, %gather3A_68 : vector<16xf32>
    %add3A_70 = arith.constant 12 : i32
    %add3A_71 = vector.broadcast %add3A_70 : i32 to vector<16xi32>
    %add3A_72 = arith.addi %mul3A_11, %add3A_71 : vector<16xi32>
    %gather3A_73 = tpu.vector_load_idx %arg5[%add3A_72] : memref<1024xf32, #tpu.memory_space<vmem>>[vector<16xi32>], vector<16xf32>,
    %max3A_74 = arith.maximumf %max3A_69, %gather3A_73 : vector<16xf32>
    %add3A_75 = arith.constant 13 : i32
    %add3A_76 = vector.broadcast %add3A_75 : i32 to vector<16xi32>
    %add3A_77 = arith.addi %mul3A_11, %add3A_76 : vector<16xi32>
    %gather3A_78 = tpu.vector_load_idx %arg5[%add3A_77] : memref<1024xf32, #tpu.memory_space<vmem>>[vector<16xi32>], vector<16xf32>,
    %max3A_79 = arith.maximumf %max3A_74, %gather3A_78 : vector<16xf32>
    %add3A_80 = arith.constant 14 : i32
    %add3A_81 = vector.broadcast %add3A_80 : i32 to vector<16xi32>
    %add3A_82 = arith.addi %mul3A_11, %add3A_81 : vector<16xi32>
    %gather3A_83 = tpu.vector_load_idx %arg5[%add3A_82] : memref<1024xf32, #tpu.memory_space<vmem>>[vector<16xi32>], vector<16xf32>,
    %max3A_84 = arith.maximumf %max3A_79, %gather3A_83 : vector<16xf32>
    %add3A_85 = arith.constant 15 : i32
    %add3A_86 = vector.broadcast %add3A_85 : i32 to vector<16xi32>
    %add3A_87 = arith.addi %mul3A_11, %add3A_86 : vector<16xi32>
    %gather3A_88 = tpu.vector_load_idx %arg5[%add3A_87] : memref<1024xf32, #tpu.memory_space<vmem>>[vector<16xi32>], vector<16xf32>,
    %max3A_89 = arith.maximumf %max3A_84, %gather3A_88 : vector<16xf32>
    %swap3A = arith.constant 0 : index
    %swap3A_90 = tpu.vector_load %arg6[%swap3A] {strides = array<i32>} : memref<64xf32, #tpu.memory_space<vmem>>, vector<16xf32>,
    tpu.vector_store %arg6[%swap3A], %max3A_89 {strides = array<i32>} : memref<64xf32, #tpu.memory_space<vmem>>, vector<16xf32>,
    %add3A_91 = arith.constant 16 : i32
    %add3A_92 = vector.broadcast %add3A_91 : i32 to vector<16xi32>
    %add3A_93 = arith.addi %add3A_92, %iota3A : vector<16xi32>
    %mul3A_94 = arith.constant 16 : i32
    %mul3A_95 = vector.broadcast %mul3A_94 : i32 to vector<16xi32>
    %mul3A_96 = arith.muli %add3A_93, %mul3A_95 : vector<16xi32>
    %add3A_97 = arith.constant 0 : i32
    %add3A_98 = vector.broadcast %add3A_97 : i32 to vector<16xi32>
    %add3A_99 = arith.addi %mul3A_96, %add3A_98 : vector<16xi32>
    %gather3A_100 = tpu.vector_load_idx %arg5[%add3A_99] : memref<1024xf32, #tpu.memory_space<vmem>>[vector<16xi32>], vector<16xf32>,
    %max3A_101 = arith.maximumf %broadcast_in_dim3A_3, %gather3A_100 : vector<16xf32>
    %add3A_102 = arith.constant 1 : i32
    %add3A_103 = vector.broadcast %add3A_102 : i32 to vector<16xi32>
    %add3A_104 = arith.addi %mul3A_96, %add3A_103 : vector<16xi32>
    %gather3A_105 = tpu.vector_load_idx %arg5[%add3A_104] : memref<1024xf32, #tpu.memory_space<vmem>>[vector<16xi32>], vector<16xf32>,
    %max3A_106 = arith.maximumf %max3A_101, %gather3A_105 : vector<16xf32>
    %add3A_107 = arith.constant 2 : i32
    %add3A_108 = vector.broadcast %add3A_107 : i32 to vector<16xi32>
    %add3A_109 = arith.addi %mul3A_96, %add3A_108 : vector<16xi32>
    %gather3A_110 = tpu.vector_load_idx %arg5[%add3A_109] : memref<1024xf32, #tpu.memory_space<vmem>>[vector<16xi32>], vector<16xf32>,
    %max3A_111 = arith.maximumf %max3A_106, %gather3A_110 : vector<16xf32>
    %add3A_112 = arith.constant 3 : i32
    %add3A_113 = vector.broadcast %add3A_112 : i32 to vector<16xi32>
    %add3A_114 = arith.addi %mul3A_96, %add3A_113 : vector<16xi32>
    %gather3A_115 = tpu.vector_load_idx %arg5[%add3A_114] : memref<1024xf32, #tpu.memory_space<vmem>>[vector<16xi32>], vector<16xf32>,
    %max3A_116 = arith.maximumf %max3A_111, %gather3A_115 : vector<16xf32>
    %add3A_117 = arith.constant 4 : i32
    %add3A_118 = vector.broadcast %add3A_117 : i32 to vector<16xi32>
    %add3A_119 = arith.addi %mul3A_96, %add3A_118 : vector<16xi32>
    %gather3A_120 = tpu.vector_load_idx %arg5[%add3A_119] : memref<1024xf32, #tpu.memory_space<vmem>>[vector<16xi32>], vector<16xf32>,
    %max3A_121 = arith.maximumf %max3A_116, %gather3A_120 : vector<16xf32>
    %add3A_122 = arith.constant 5 : i32
    %add3A_123 = vector.broadcast %add3A_122 : i32 to vector<16xi32>
    %add3A_124 = arith.addi %mul3A_96, %add3A_123 : vector<16xi32>
    %gather3A_125 = tpu.vector_load_idx %arg5[%add3A_124] : memref<1024xf32, #tpu.memory_space<vmem>>[vector<16xi32>], vector<16xf32>,
    %max3A_126 = arith.maximumf %max3A_121, %gather3A_125 : vector<16xf32>
    %add3A_127 = arith.constant 6 : i32
    %add3A_128 = vector.broadcast %add3A_127 : i32 to vector<16xi32>
    %add3A_129 = arith.addi %mul3A_96, %add3A_128 : vector<16xi32>
    %gather3A_130 = tpu.vector_load_idx %arg5[%add3A_129] : memref<1024xf32, #tpu.memory_space<vmem>>[vector<16xi32>], vector<16xf32>,
    %max3A_131 = arith.maximumf %max3A_126, %gather3A_130 : vector<16xf32>
    %add3A_132 = arith.constant 7 : i32
    %add3A_133 = vector.broadcast %add3A_132 : i32 to vector<16xi32>
    %add3A_134 = arith.addi %mul3A_96, %add3A_133 : vector<16xi32>
    %gather3A_135 = tpu.vector_load_idx %arg5[%add3A_134] : memref<1024xf32, #tpu.memory_space<vmem>>[vector<16xi32>], vector<16xf32>,
    %max3A_136 = arith.maximumf %max3A_131, %gather3A_135 : vector<16xf32>
    %add3A_137 = arith.constant 8 : i32
    %add3A_138 = vector.broadcast %add3A_137 : i32 to vector<16xi32>
    %add3A_139 = arith.addi %mul3A_96, %add3A_138 : vector<16xi32>
    %gather3A_140 = tpu.vector_load_idx %arg5[%add3A_139] : memref<1024xf32, #tpu.memory_space<vmem>>[vector<16xi32>], vector<16xf32>,
    %max3A_141 = arith.maximumf %max3A_136, %gather3A_140 : vector<16xf32>
    %add3A_142 = arith.constant 9 : i32
    %add3A_143 = vector.broadcast %add3A_142 : i32 to vector<16xi32>
    %add3A_144 = arith.addi %mul3A_96, %add3A_143 : vector<16xi32>
    %gather3A_145 = tpu.vector_load_idx %arg5[%add3A_144] : memref<1024xf32, #tpu.memory_space<vmem>>[vector<16xi32>], vector<16xf32>,
    %max3A_146 = arith.maximumf %max3A_141, %gather3A_145 : vector<16xf32>
    %add3A_147 = arith.constant 10 : i32
    %add3A_148 = vector.broadcast %add3A_147 : i32 to vector<16xi32>
    %add3A_149 = arith.addi %mul3A_96, %add3A_148 : vector<16xi32>
    %gather3A_150 = tpu.vector_load_idx %arg5[%add3A_149] : memref<1024xf32, #tpu.memory_space<vmem>>[vector<16xi32>], vector<16xf32>,
    %max3A_151 = arith.maximumf %max3A_146, %gather3A_150 : vector<16xf32>
    %add3A_152 = arith.constant 11 : i32
    %add3A_153 = vector.broadcast %add3A_152 : i32 to vector<16xi32>
    %add3A_154 = arith.addi %mul3A_96, %add3A_153 : vector<16xi32>
    %gather3A_155 = tpu.vector_load_idx %arg5[%add3A_154] : memref<1024xf32, #tpu.memory_space<vmem>>[vector<16xi32>], vector<16xf32>,
    %max3A_156 = arith.maximumf %max3A_151, %gather3A_155 : vector<16xf32>
    %add3A_157 = arith.constant 12 : i32
    %add3A_158 = vector.broadcast %add3A_157 : i32 to vector<16xi32>
    %add3A_159 = arith.addi %mul3A_96, %add3A_158 : vector<16xi32>
    %gather3A_160 = tpu.vector_load_idx %arg5[%add3A_159] : memref<1024xf32, #tpu.memory_space<vmem>>[vector<16xi32>], vector<16xf32>,
    %max3A_161 = arith.maximumf %max3A_156, %gather3A_160 : vector<16xf32>
    %add3A_162 = arith.constant 13 : i32
    %add3A_163 = vector.broadcast %add3A_162 : i32 to vector<16xi32>
    %add3A_164 = arith.addi %mul3A_96, %add3A_163 : vector<16xi32>
    %gather3A_165 = tpu.vector_load_idx %arg5[%add3A_164] : memref<1024xf32, #tpu.memory_space<vmem>>[vector<16xi32>], vector<16xf32>,
    %max3A_166 = arith.maximumf %max3A_161, %gather3A_165 : vector<16xf32>
    %add3A_167 = arith.constant 14 : i32
    %add3A_168 = vector.broadcast %add3A_167 : i32 to vector<16xi32>
    %add3A_169 = arith.addi %mul3A_96, %add3A_168 : vector<16xi32>
    %gather3A_170 = tpu.vector_load_idx %arg5[%add3A_169] : memref<1024xf32, #tpu.memory_space<vmem>>[vector<16xi32>], vector<16xf32>,
    %max3A_171 = arith.maximumf %max3A_166, %gather3A_170 : vector<16xf32>
    %add3A_172 = arith.constant 15 : i32
    %add3A_173 = vector.broadcast %add3A_172 : i32 to vector<16xi32>
    %add3A_174 = arith.addi %mul3A_96, %add3A_173 : vector<16xi32>
    %gather3A_175 = tpu.vector_load_idx %arg5[%add3A_174] : memref<1024xf32, #tpu.memory_space<vmem>>[vector<16xi32>], vector<16xf32>,
    %max3A_176 = arith.maximumf %max3A_171, %gather3A_175 : vector<16xf32>
    %swap3A_177 = arith.constant 16 : index
    %swap3A_178 = tpu.vector_load %arg6[%swap3A_177] {strides = array<i32>} : memref<64xf32, #tpu.memory_space<vmem>>, vector<16xf32>,
    tpu.vector_store %arg6[%swap3A_177], %max3A_176 {strides = array<i32>} : memref<64xf32, #tpu.memory_space<vmem>>, vector<16xf32>,
    %add3A_179 = arith.constant 32 : i32
    %add3A_180 = vector.broadcast %add3A_179 : i32 to vector<16xi32>
    %add3A_181 = arith.addi %add3A_180, %iota3A : vector<16xi32>
    %mul3A_182 = arith.constant 16 : i32
    %mul3A_183 = vector.broadcast %mul3A_182 : i32 to vector<16xi32>
    %mul3A_184 = arith.muli %add3A_181, %mul3A_183 : vector<16xi32>
    %add3A_185 = arith.constant 0 : i32
    %add3A_186 = vector.broadcast %add3A_185 : i32 to vector<16xi32>
    %add3A_187 = arith.addi %mul3A_184, %add3A_186 : vector<16xi32>
    %gather3A_188 = tpu.vector_load_idx %arg5[%add3A_187] : memref<1024xf32, #tpu.memory_space<vmem>>[vector<16xi32>], vector<16xf32>,
    %max3A_189 = arith.maximumf %broadcast_in_dim3A_3, %gather3A_188 : vector<16xf32>
    %add3A_190 = arith.constant 1 : i32
    %add3A_191 = vector.broadcast %add3A_190 : i32 to vector<16xi32>
    %add3A_192 = arith.addi %mul3A_184, %add3A_191 : vector<16xi32>
    %gather3A_193 = tpu.vector_load_idx %arg5[%add3A_192] : memref<1024xf32, #tpu.memory_space<vmem>>[vector<16xi32>], vector<16xf32>,
    %max3A_194 = arith.maximumf %max3A_189, %gather3A_193 : vector<16xf32>
    %add3A_195 = arith.constant 2 : i32
    %add3A_196 = vector.broadcast %add3A_195 : i32 to vector<16xi32>
    %add3A_197 = arith.addi %mul3A_184, %add3A_196 : vector<16xi32>
    %gather3A_198 = tpu.vector_load_idx %arg5[%add3A_197] : memref<1024xf32, #tpu.memory_space<vmem>>[vector<16xi32>], vector<16xf32>,
    %max3A_199 = arith.maximumf %max3A_194, %gather3A_198 : vector<16xf32>
    %add3A_200 = arith.constant 3 : i32
    %add3A_201 = vector.broadcast %add3A_200 : i32 to vector<16xi32>
    %add3A_202 = arith.addi %mul3A_184, %add3A_201 : vector<16xi32>
    %gather3A_203 = tpu.vector_load_idx %arg5[%add3A_202] : memref<1024xf32, #tpu.memory_space<vmem>>[vector<16xi32>], vector<16xf32>,
    %max3A_204 = arith.maximumf %max3A_199, %gather3A_203 : vector<16xf32>
    %add3A_205 = arith.constant 4 : i32
    %add3A_206 = vector.broadcast %add3A_205 : i32 to vector<16xi32>
    %add3A_207 = arith.addi %mul3A_184, %add3A_206 : vector<16xi32>
    %gather3A_208 = tpu.vector_load_idx %arg5[%add3A_207] : memref<1024xf32, #tpu.memory_space<vmem>>[vector<16xi32>], vector<16xf32>,
    %max3A_209 = arith.maximumf %max3A_204, %gather3A_208 : vector<16xf32>
    %add3A_210 = arith.constant 5 : i32
    %add3A_211 = vector.broadcast %add3A_210 : i32 to vector<16xi32>
    %add3A_212 = arith.addi %mul3A_184, %add3A_211 : vector<16xi32>
    %gather3A_213 = tpu.vector_load_idx %arg5[%add3A_212] : memref<1024xf32, #tpu.memory_space<vmem>>[vector<16xi32>], vector<16xf32>,
    %max3A_214 = arith.maximumf %max3A_209, %gather3A_213 : vector<16xf32>
    %add3A_215 = arith.constant 6 : i32
    %add3A_216 = vector.broadcast %add3A_215 : i32 to vector<16xi32>
    %add3A_217 = arith.addi %mul3A_184, %add3A_216 : vector<16xi32>
    %gather3A_218 = tpu.vector_load_idx %arg5[%add3A_217] : memref<1024xf32, #tpu.memory_space<vmem>>[vector<16xi32>], vector<16xf32>,
    %max3A_219 = arith.maximumf %max3A_214, %gather3A_218 : vector<16xf32>
    %add3A_220 = arith.constant 7 : i32
    %add3A_221 = vector.broadcast %add3A_220 : i32 to vector<16xi32>
    %add3A_222 = arith.addi %mul3A_184, %add3A_221 : vector<16xi32>
    %gather3A_223 = tpu.vector_load_idx %arg5[%add3A_222] : memref<1024xf32, #tpu.memory_space<vmem>>[vector<16xi32>], vector<16xf32>,
    %max3A_224 = arith.maximumf %max3A_219, %gather3A_223 : vector<16xf32>
    %add3A_225 = arith.constant 8 : i32
    %add3A_226 = vector.broadcast %add3A_225 : i32 to vector<16xi32>
    %add3A_227 = arith.addi %mul3A_184, %add3A_226 : vector<16xi32>
    %gather3A_228 = tpu.vector_load_idx %arg5[%add3A_227] : memref<1024xf32, #tpu.memory_space<vmem>>[vector<16xi32>], vector<16xf32>,
    %max3A_229 = arith.maximumf %max3A_224, %gather3A_228 : vector<16xf32>
    %add3A_230 = arith.constant 9 : i32
    %add3A_231 = vector.broadcast %add3A_230 : i32 to vector<16xi32>
    %add3A_232 = arith.addi %mul3A_184, %add3A_231 : vector<16xi32>
    %gather3A_233 = tpu.vector_load_idx %arg5[%add3A_232] : memref<1024xf32, #tpu.memory_space<vmem>>[vector<16xi32>], vector<16xf32>,
    %max3A_234 = arith.maximumf %max3A_229, %gather3A_233 : vector<16xf32>
    %add3A_235 = arith.constant 10 : i32
    %add3A_236 = vector.broadcast %add3A_235 : i32 to vector<16xi32>
    %add3A_237 = arith.addi %mul3A_184, %add3A_236 : vector<16xi32>
    %gather3A_238 = tpu.vector_load_idx %arg5[%add3A_237] : memref<1024xf32, #tpu.memory_space<vmem>>[vector<16xi32>], vector<16xf32>,
    %max3A_239 = arith.maximumf %max3A_234, %gather3A_238 : vector<16xf32>
    %add3A_240 = arith.constant 11 : i32
    %add3A_241 = vector.broadcast %add3A_240 : i32 to vector<16xi32>
    %add3A_242 = arith.addi %mul3A_184, %add3A_241 : vector<16xi32>
    %gather3A_243 = tpu.vector_load_idx %arg5[%add3A_242] : memref<1024xf32, #tpu.memory_space<vmem>>[vector<16xi32>], vector<16xf32>,
    %max3A_244 = arith.maximumf %max3A_239, %gather3A_243 : vector<16xf32>
    %add3A_245 = arith.constant 12 : i32
    %add3A_246 = vector.broadcast %add3A_245 : i32 to vector<16xi32>
    %add3A_247 = arith.addi %mul3A_184, %add3A_246 : vector<16xi32>
    %gather3A_248 = tpu.vector_load_idx %arg5[%add3A_247] : memref<1024xf32, #tpu.memory_space<vmem>>[vector<16xi32>], vector<16xf32>,
    %max3A_249 = arith.maximumf %max3A_244, %gather3A_248 : vector<16xf32>
    %add3A_250 = arith.constant 13 : i32
    %add3A_251 = vector.broadcast %add3A_250 : i32 to vector<16xi32>
    %add3A_252 = arith.addi %mul3A_184, %add3A_251 : vector<16xi32>
    %gather3A_253 = tpu.vector_load_idx %arg5[%add3A_252] : memref<1024xf32, #tpu.memory_space<vmem>>[vector<16xi32>], vector<16xf32>,
    %max3A_254 = arith.maximumf %max3A_249, %gather3A_253 : vector<16xf32>
    %add3A_255 = arith.constant 14 : i32
    %add3A_256 = vector.broadcast %add3A_255 : i32 to vector<16xi32>
    %add3A_257 = arith.addi %mul3A_184, %add3A_256 : vector<16xi32>
    %gather3A_258 = tpu.vector_load_idx %arg5[%add3A_257] : memref<1024xf32, #tpu.memory_space<vmem>>[vector<16xi32>], vector<16xf32>,
    %max3A_259 = arith.maximumf %max3A_254, %gather3A_258 : vector<16xf32>
    %add3A_260 = arith.constant 15 : i32
    %add3A_261 = vector.broadcast %add3A_260 : i32 to vector<16xi32>
    %add3A_262 = arith.addi %mul3A_184, %add3A_261 : vector<16xi32>
    %gather3A_263 = tpu.vector_load_idx %arg5[%add3A_262] : memref<1024xf32, #tpu.memory_space<vmem>>[vector<16xi32>], vector<16xf32>,
    %max3A_264 = arith.maximumf %max3A_259, %gather3A_263 : vector<16xf32>
    %swap3A_265 = arith.constant 32 : index
    %swap3A_266 = tpu.vector_load %arg6[%swap3A_265] {strides = array<i32>} : memref<64xf32, #tpu.memory_space<vmem>>, vector<16xf32>,
    tpu.vector_store %arg6[%swap3A_265], %max3A_264 {strides = array<i32>} : memref<64xf32, #tpu.memory_space<vmem>>, vector<16xf32>,
    %add3A_267 = arith.constant 48 : i32
    %add3A_268 = vector.broadcast %add3A_267 : i32 to vector<16xi32>
    %add3A_269 = arith.addi %add3A_268, %iota3A : vector<16xi32>
    %mul3A_270 = arith.constant 16 : i32
    %mul3A_271 = vector.broadcast %mul3A_270 : i32 to vector<16xi32>
    %mul3A_272 = arith.muli %add3A_269, %mul3A_271 : vector<16xi32>
    %add3A_273 = arith.constant 0 : i32
    %add3A_274 = vector.broadcast %add3A_273 : i32 to vector<16xi32>
    %add3A_275 = arith.addi %mul3A_272, %add3A_274 : vector<16xi32>
    %gather3A_276 = tpu.vector_load_idx %arg5[%add3A_275] : memref<1024xf32, #tpu.memory_space<vmem>>[vector<16xi32>], vector<16xf32>,
    %max3A_277 = arith.maximumf %broadcast_in_dim3A_3, %gather3A_276 : vector<16xf32>
    %add3A_278 = arith.constant 1 : i32
    %add3A_279 = vector.broadcast %add3A_278 : i32 to vector<16xi32>
    %add3A_280 = arith.addi %mul3A_272, %add3A_279 : vector<16xi32>
    %gather3A_281 = tpu.vector_load_idx %arg5[%add3A_280] : memref<1024xf32, #tpu.memory_space<vmem>>[vector<16xi32>], vector<16xf32>,
    %max3A_282 = arith.maximumf %max3A_277, %gather3A_281 : vector<16xf32>
    %add3A_283 = arith.constant 2 : i32
    %add3A_284 = vector.broadcast %add3A_283 : i32 to vector<16xi32>
    %add3A_285 = arith.addi %mul3A_272, %add3A_284 : vector<16xi32>
    %gather3A_286 = tpu.vector_load_idx %arg5[%add3A_285] : memref<1024xf32, #tpu.memory_space<vmem>>[vector<16xi32>], vector<16xf32>,
    %max3A_287 = arith.maximumf %max3A_282, %gather3A_286 : vector<16xf32>
    %add3A_288 = arith.constant 3 : i32
    %add3A_289 = vector.broadcast %add3A_288 : i32 to vector<16xi32>
    %add3A_290 = arith.addi %mul3A_272, %add3A_289 : vector<16xi32>
    %gather3A_291 = tpu.vector_load_idx %arg5[%add3A_290] : memref<1024xf32, #tpu.memory_space<vmem>>[vector<16xi32>], vector<16xf32>,
    %max3A_292 = arith.maximumf %max3A_287, %gather3A_291 : vector<16xf32>
    %add3A_293 = arith.constant 4 : i32
    %add3A_294 = vector.broadcast %add3A_293 : i32 to vector<16xi32>
    %add3A_295 = arith.addi %mul3A_272, %add3A_294 : vector<16xi32>
    %gather3A_296 = tpu.vector_load_idx %arg5[%add3A_295] : memref<1024xf32, #tpu.memory_space<vmem>>[vector<16xi32>], vector<16xf32>,
    %max3A_297 = arith.maximumf %max3A_292, %gather3A_296 : vector<16xf32>
    %add3A_298 = arith.constant 5 : i32
    %add3A_299 = vector.broadcast %add3A_298 : i32 to vector<16xi32>
    %add3A_300 = arith.addi %mul3A_272, %add3A_299 : vector<16xi32>
    %gather3A_301 = tpu.vector_load_idx %arg5[%add3A_300] : memref<1024xf32, #tpu.memory_space<vmem>>[vector<16xi32>], vector<16xf32>,
    %max3A_302 = arith.maximumf %max3A_297, %gather3A_301 : vector<16xf32>
    %add3A_303 = arith.constant 6 : i32
    %add3A_304 = vector.broadcast %add3A_303 : i32 to vector<16xi32>
    %add3A_305 = arith.addi %mul3A_272, %add3A_304 : vector<16xi32>
    %gather3A_306 = tpu.vector_load_idx %arg5[%add3A_305] : memref<1024xf32, #tpu.memory_space<vmem>>[vector<16xi32>], vector<16xf32>,
    %max3A_307 = arith.maximumf %max3A_302, %gather3A_306 : vector<16xf32>
    %add3A_308 = arith.constant 7 : i32
    %add3A_309 = vector.broadcast %add3A_308 : i32 to vector<16xi32>
    %add3A_310 = arith.addi %mul3A_272, %add3A_309 : vector<16xi32>
    %gather3A_311 = tpu.vector_load_idx %arg5[%add3A_310] : memref<1024xf32, #tpu.memory_space<vmem>>[vector<16xi32>], vector<16xf32>,
    %max3A_312 = arith.maximumf %max3A_307, %gather3A_311 : vector<16xf32>
    %add3A_313 = arith.constant 8 : i32
    %add3A_314 = vector.broadcast %add3A_313 : i32 to vector<16xi32>
    %add3A_315 = arith.addi %mul3A_272, %add3A_314 : vector<16xi32>
    %gather3A_316 = tpu.vector_load_idx %arg5[%add3A_315] : memref<1024xf32, #tpu.memory_space<vmem>>[vector<16xi32>], vector<16xf32>,
    %max3A_317 = arith.maximumf %max3A_312, %gather3A_316 : vector<16xf32>
    %add3A_318 = arith.constant 9 : i32
    %add3A_319 = vector.broadcast %add3A_318 : i32 to vector<16xi32>
    %add3A_320 = arith.addi %mul3A_272, %add3A_319 : vector<16xi32>
    %gather3A_321 = tpu.vector_load_idx %arg5[%add3A_320] : memref<1024xf32, #tpu.memory_space<vmem>>[vector<16xi32>], vector<16xf32>,
    %max3A_322 = arith.maximumf %max3A_317, %gather3A_321 : vector<16xf32>
    %add3A_323 = arith.constant 10 : i32
    %add3A_324 = vector.broadcast %add3A_323 : i32 to vector<16xi32>
    %add3A_325 = arith.addi %mul3A_272, %add3A_324 : vector<16xi32>
    %gather3A_326 = tpu.vector_load_idx %arg5[%add3A_325] : memref<1024xf32, #tpu.memory_space<vmem>>[vector<16xi32>], vector<16xf32>,
    %max3A_327 = arith.maximumf %max3A_322, %gather3A_326 : vector<16xf32>
    %add3A_328 = arith.constant 11 : i32
    %add3A_329 = vector.broadcast %add3A_328 : i32 to vector<16xi32>
    %add3A_330 = arith.addi %mul3A_272, %add3A_329 : vector<16xi32>
    %gather3A_331 = tpu.vector_load_idx %arg5[%add3A_330] : memref<1024xf32, #tpu.memory_space<vmem>>[vector<16xi32>], vector<16xf32>,
    %max3A_332 = arith.maximumf %max3A_327, %gather3A_331 : vector<16xf32>
    %add3A_333 = arith.constant 12 : i32
    %add3A_334 = vector.broadcast %add3A_333 : i32 to vector<16xi32>
    %add3A_335 = arith.addi %mul3A_272, %add3A_334 : vector<16xi32>
    %gather3A_336 = tpu.vector_load_idx %arg5[%add3A_335] : memref<1024xf32, #tpu.memory_space<vmem>>[vector<16xi32>], vector<16xf32>,
    %max3A_337 = arith.maximumf %max3A_332, %gather3A_336 : vector<16xf32>
    %add3A_338 = arith.constant 13 : i32
    %add3A_339 = vector.broadcast %add3A_338 : i32 to vector<16xi32>
    %add3A_340 = arith.addi %mul3A_272, %add3A_339 : vector<16xi32>
    %gather3A_341 = tpu.vector_load_idx %arg5[%add3A_340] : memref<1024xf32, #tpu.memory_space<vmem>>[vector<16xi32>], vector<16xf32>,
    %max3A_342 = arith.maximumf %max3A_337, %gather3A_341 : vector<16xf32>
    %add3A_343 = arith.constant 14 : i32
    %add3A_344 = vector.broadcast %add3A_343 : i32 to vector<16xi32>
    %add3A_345 = arith.addi %mul3A_272, %add3A_344 : vector<16xi32>
    %gather3A_346 = tpu.vector_load_idx %arg5[%add3A_345] : memref<1024xf32, #tpu.memory_space<vmem>>[vector<16xi32>], vector<16xf32>,
    %max3A_347 = arith.maximumf %max3A_342, %gather3A_346 : vector<16xf32>
    %add3A_348 = arith.constant 15 : i32
    %add3A_349 = vector.broadcast %add3A_348 : i32 to vector<16xi32>
    %add3A_350 = arith.addi %mul3A_272, %add3A_349 : vector<16xi32>
    %gather3A_351 = tpu.vector_load_idx %arg5[%add3A_350] : memref<1024xf32, #tpu.memory_space<vmem>>[vector<16xi32>], vector<16xf32>,
    %max3A_352 = arith.maximumf %max3A_347, %gather3A_351 : vector<16xf32>
    %swap3A_353 = arith.constant 48 : index
    %swap3A_354 = tpu.vector_load %arg6[%swap3A_353] {strides = array<i32>} : memref<64xf32, #tpu.memory_space<vmem>>, vector<16xf32>,
    tpu.vector_store %arg6[%swap3A_353], %max3A_352 {strides = array<i32>} : memref<64xf32, #tpu.memory_space<vmem>>, vector<16xf32>,
    %scan3A = arith.constant 0 : i32
    %scan3A_355 = arith.constant 0 : i32
    %scan3A_356 = arith.constant 64 : i32
    %scan3A_357 = arith.addi %scan3A_355, %scan3A_356 : i32
    %scan3A_358 = arith.constant 1 : i32
    scf.for %scan3A_366 = %scan3A_355 to %scan3A_357 step %scan3A_358  : i32 {
      %get3A = arith.constant 0 : index
      %get3A_367 = tpu.vector_load %arg6[%get3A] {strides = array<i32>} : memref<64xf32, #tpu.memory_space<vmem>>, vector<16xf32>,
      %get3A_368 = arith.constant 16 : index
      %get3A_369 = tpu.vector_load %arg6[%get3A_368] {strides = array<i32>} : memref<64xf32, #tpu.memory_space<vmem>>, vector<16xf32>,
      %get3A_370 = arith.constant 32 : index
      %get3A_371 = tpu.vector_load %arg6[%get3A_370] {strides = array<i32>} : memref<64xf32, #tpu.memory_space<vmem>>, vector<16xf32>,
      %get3A_372 = arith.constant 48 : index
      %get3A_373 = tpu.vector_load %arg6[%get3A_372] {strides = array<i32>} : memref<64xf32, #tpu.memory_space<vmem>>, vector<16xf32>,
      %max3A_374 = arith.maximumf %get3A_367, %get3A_369 : vector<16xf32>
      %max3A_375 = arith.maximumf %get3A_371, %get3A_373 : vector<16xf32>
      %max3A_376 = arith.maximumf %max3A_374, %max3A_375 : vector<16xf32>
      %reduce_max3A = arith.constant true
      %reduce_max3A_377 = vector.broadcast %reduce_max3A : i1 to vector<16xi1>
      %reduce_max3A_378 = tpu.scan <max>, %max3A_376 masked %reduce_max3A_377 : vector<16xf32>, vector<16xi1> -> vector<16xf32>
      %reduce_max3A_379 = vector.extract %reduce_max3A_378[15] : f32 from vector<16xf32>
      %broadcast_in_dim3A_380 = vector.broadcast %reduce_max3A_379 : f32 to vector<16xf32>
      %eq3A_381 = arith.cmpf oeq, %get3A_367, %broadcast_in_dim3A_380 : vector<16xf32>
      %all_reduce_ffs3A = tpu.all_reduce %eq3A_381 {dim = 0 : i64, kind = #tpu.reduction_kind<find_first_set>} : vector<16xi1> -> vector<16xi32>
      %eq3A_382 = arith.cmpf oeq, %get3A_369, %broadcast_in_dim3A_380 : vector<16xf32>
      %all_reduce_ffs3A_383 = tpu.all_reduce %eq3A_382 {dim = 0 : i64, kind = #tpu.reduction_kind<find_first_set>} : vector<16xi1> -> vector<16xi32>
      %eq3A_384 = arith.cmpf oeq, %get3A_371, %broadcast_in_dim3A_380 : vector<16xf32>
      %all_reduce_ffs3A_385 = tpu.all_reduce %eq3A_384 {dim = 0 : i64, kind = #tpu.reduction_kind<find_first_set>} : vector<16xi1> -> vector<16xi32>
      %eq3A_386 = arith.cmpf oeq, %get3A_373, %broadcast_in_dim3A_380 : vector<16xf32>
      %all_reduce_ffs3A_387 = tpu.all_reduce %eq3A_386 {dim = 0 : i64, kind = #tpu.reduction_kind<find_first_set>} : vector<16xi1> -> vector<16xi32>
      %lt3A = arith.constant 16 : i32
      %lt3A_388 = vector.broadcast %lt3A : i32 to vector<16xi32>
      %lt3A_389 = arith.cmpi slt, %all_reduce_ffs3A, %lt3A_388 : vector<16xi32>
      %lt3A_390 = arith.constant 16 : i32
      %lt3A_391 = vector.broadcast %lt3A_390 : i32 to vector<16xi32>
      %lt3A_392 = arith.cmpi slt, %all_reduce_ffs3A_383, %lt3A_391 : vector<16xi32>
      %add3A_393 = arith.constant 16 : i32
      %add3A_394 = vector.broadcast %add3A_393 : i32 to vector<16xi32>
      %add3A_395 = arith.addi %add3A_394, %all_reduce_ffs3A_383 : vector<16xi32>
      %lt3A_396 = arith.constant 16 : i32
      %lt3A_397 = vector.broadcast %lt3A_396 : i32 to vector<16xi32>
      %lt3A_398 = arith.cmpi slt, %all_reduce_ffs3A_385, %lt3A_397 : vector<16xi32>
      %add3A_399 = arith.constant 32 : i32
      %add3A_400 = vector.broadcast %add3A_399 : i32 to vector<16xi32>
      %add3A_401 = arith.addi %add3A_400, %all_reduce_ffs3A_385 : vector<16xi32>
      %add3A_402 = arith.constant 48 : i32
      %add3A_403 = vector.broadcast %add3A_402 : i32 to vector<16xi32>
      %add3A_404 = arith.addi %add3A_403, %all_reduce_ffs3A_387 : vector<16xi32>
      %select_n3A = arith.select %lt3A_398, %add3A_401, %add3A_404 : vector<16xi1>, vector<16xi32>
      %select_n3A_405 = arith.select %lt3A_392, %add3A_395, %select_n3A : vector<16xi1>, vector<16xi32>
      %select_n3A_406 = arith.select %lt3A_389, %all_reduce_ffs3A, %select_n3A_405 : vector<16xi1>, vector<16xi32>
      %mul3A_407 = arith.constant 16 : i32
      %mul3A_408 = vector.broadcast %mul3A_407 : i32 to vector<16xi32>
      %mul3A_409 = arith.muli %select_n3A_406, %mul3A_408 : vector<16xi32>
      %add3A_410 = arith.addi %mul3A_409, %iota3A : vector<16xi32>
      %gather3A_411 = tpu.vector_load_idx %arg5[%add3A_410] : memref<1024xf32, #tpu.memory_space<vmem>>[vector<16xi32>], vector<16xf32>,
      %eq3A_412 = arith.cmpf oeq, %gather3A_411, %broadcast_in_dim3A_380 : vector<16xf32>
      %all_reduce_ffs3A_413 = tpu.all_reduce %eq3A_412 {dim = 0 : i64, kind = #tpu.reduction_kind<find_first_set>} : vector<16xi1> -> vector<16xi32>
      %mul3A_414 = arith.constant 16 : i32
      %mul3A_415 = vector.broadcast %mul3A_414 : i32 to vector<16xi32>
      %mul3A_416 = arith.muli %select_n3A_406, %mul3A_415 : vector<16xi32>
      %add3A_417 = arith.addi %mul3A_416, %all_reduce_ffs3A_413 : vector<16xi32>
      %broadcast_in_dim3A_418 = vector.broadcast %scan3A_366 : i32 to vector<16xi32>
      %mul3A_419 = arith.constant 1024 : i32
      %mul3A_420 = arith.muli %add3A, %mul3A_419 : i32
      %add3A_421 = vector.broadcast %mul3A_420 : i32 to vector<16xi32>
      %add3A_422 = arith.addi %add3A_421, %add3A_417 : vector<16xi32>
      tpu.vector_store_idx %arg7[%broadcast_in_dim3A_418], %add3A_422 masked %eq3A_2 : memref<64xi32, #tpu.memory_space<vmem>>[vector<16xi32>], vector<16xi32>, vector<16xi1>
      tpu.vector_store_idx %arg5[%add3A_417], %broadcast_in_dim3A_3 masked %eq3A_2 : memref<1024xf32, #tpu.memory_space<vmem>>[vector<16xi32>], vector<16xf32>, vector<16xi1>
      %gather3A_423 = tpu.vector_load_idx %arg5[%add3A_410] : memref<1024xf32, #tpu.memory_space<vmem>>[vector<16xi32>], vector<16xf32>,
      %reduce_max3A_424 = arith.constant true
      %reduce_max3A_425 = vector.broadcast %reduce_max3A_424 : i1 to vector<16xi1>
      %reduce_max3A_426 = tpu.scan <max>, %gather3A_423 masked %reduce_max3A_425 : vector<16xf32>, vector<16xi1> -> vector<16xf32>
      %reduce_max3A_427 = vector.extract %reduce_max3A_426[15] : f32 from vector<16xf32>
      %broadcast_in_dim3A_428 = vector.broadcast %reduce_max3A_427 : f32 to vector<16xf32>
      tpu.vector_store_idx %arg6[%select_n3A_406], %broadcast_in_dim3A_428 masked %eq3A_2 : memref<64xf32, #tpu.memory_space<vmem>>[vector<16xi32>], vector<16xf32>, vector<16xi1>
    }
    %scan3A_359 = arith.constant 64 : i32
    %dma_start3A = arith.constant 0 : i32
    %dma_start3A_360 = arith.constant 0 : i32
    %dma_start3A_361 = tpu.memref_slice %arg3[%dma_start3A, %dma_start3A_360] : memref<32768x256xf32, #tpu.memory_space<hbm>> -> memref<32768x256xf32, #tpu.memory_space<hbm>>
    tpu.enqueue_indirect_dma source(%dma_start3A_361 : memref<32768x256xf32, #tpu.memory_space<hbm>>) target(%arg8 : memref<64x256xf32, #tpu.memory_space<vmem>>) offsets(%arg7 : memref<64xi32, #tpu.memory_space<vmem>>) semaphore(%arg9 : memref<!tpu.dma_semaphore, #tpu.memory_space<semaphore_mem>>)
    %dma_wait3A = arith.constant 0 : i32
    %dma_wait3A_362 = arith.constant 0 : i32
    %dma_wait3A_363 = tpu.memref_slice %arg3[%dma_wait3A, %dma_wait3A_362] : memref<32768x256xf32, #tpu.memory_space<hbm>> -> memref<32768x256xf32, #tpu.memory_space<hbm>>
    tpu.wait_indirect_dma semaphore(%arg9 : memref<!tpu.dma_semaphore, #tpu.memory_space<semaphore_mem>>) src(%dma_wait3A_363 : memref<32768x256xf32, #tpu.memory_space<hbm>>) dst(%arg8 : memref<64x256xf32, #tpu.memory_space<vmem>>)
    %mul3A_364 = arith.constant 64 : i32
    %mul3A_365 = arith.muli %add3A, %mul3A_364 : i32
    "tpu.region"() ({
      %run_scoped3A = tpu.sem_alloc : memref<!tpu.dma_semaphore, #tpu.memory_space<semaphore_mem>>
      %dma_start3A_366 = arith.constant 0 : i32
      %dma_start3A_367 = tpu.memref_slice %arg4[%mul3A_365, %dma_start3A_366] : memref<2048x256xf32, #tpu.memory_space<hbm>> -> memref<64x256xf32, #tpu.memory_space<hbm>>
      %dma_start3A_368 = arith.constant 0 : i32
      %dma_start3A_369 = tpu.memref_slice %arg4[%mul3A_365, %dma_start3A_368] : memref<2048x256xf32, #tpu.memory_space<hbm>> -> memref<64x256xf32, #tpu.memory_space<hbm>>
      tpu.enqueue_dma source(%arg8 : memref<64x256xf32, #tpu.memory_space<vmem>>) target(%dma_start3A_369 : memref<64x256xf32, #tpu.memory_space<hbm>>) target_semaphore(%run_scoped3A : memref<!tpu.dma_semaphore, #tpu.memory_space<semaphore_mem>>)
      %dma_wait3A_370 = arith.constant 0 : i32
      %dma_wait3A_371 = tpu.memref_slice %arg4[%mul3A_365, %dma_wait3A_370] : memref<2048x256xf32, #tpu.memory_space<hbm>> -> memref<64x256xf32, #tpu.memory_space<hbm>>
      %dma_wait3A_372 = arith.constant 0 : i32
      %dma_wait3A_373 = tpu.memref_slice %arg4[%mul3A_365, %dma_wait3A_372] : memref<2048x256xf32, #tpu.memory_space<hbm>> -> memref<64x256xf32, #tpu.memory_space<hbm>>
      tpu.wait_dma2 semaphore(%run_scoped3A : memref<!tpu.dma_semaphore, #tpu.memory_space<semaphore_mem>>) src(%arg8 : memref<64x256xf32, #tpu.memory_space<vmem>>) dst(%dma_wait3A_373 : memref<64x256xf32, #tpu.memory_space<hbm>>)
      tpu.yield
    }) : () -> ()
    return
  }
}

module attributes {stable_mosaic.version = 14 : i64} {
  func.func @_a_body(%arg0: i32, %arg1: memref<8x1024x256xf32, #tpu.memory_space<vmem>>, %arg2: memref<256x4xf32, #tpu.memory_space<vmem>>, %arg3: memref<256x4xf32, #tpu.memory_space<vmem>>, %arg4: memref<8x1x1024xf32, #tpu.memory_space<vmem>>, %arg5: memref<1024x1024xf32, #tpu.memory_space<vmem>>) attributes {dimension_semantics = [#tpu.dimension_semantics<parallel>], iteration_bounds = array<i64: 4>, scalar_prefetch = 0 : i64, scratch_operands = 1 : i64, tpu.core_type = #tpu.core_type<tc>, window_params = [{transform_indices = @transform_0, window_bounds = array<i64: 8, 1024, 256>}, {pipeline_mode = #tpu.pipeline_mode<synchronous>, transform_indices = @transform_1, window_bounds = array<i64: 256, 4>}, {pipeline_mode = #tpu.pipeline_mode<synchronous>, transform_indices = @transform_2, window_bounds = array<i64: 256, 4>}, {transform_indices = @transform_3, window_bounds = array<i64: 8, 1, 1024>}]} {
    %get3A = arith.constant 0 : index
    %get3A_0 = arith.constant 0 : index
    %get3A_1 = arith.constant 0 : index
    %get3A_2 = vector.load %arg1[%get3A, %get3A_0, %get3A_1] : memref<8x1024x256xf32, #tpu.memory_space<vmem>>, vector<1x1024x256xf32>
    %get3A_3 = vector.shape_cast %get3A_2 : vector<1x1024x256xf32> to vector<1024x256xf32>
    %get3A_4 = arith.constant 0 : index
    %get3A_5 = arith.constant 0 : index
    %get3A_6 = vector.load %arg2[%get3A_4, %get3A_5] : memref<256x4xf32, #tpu.memory_space<vmem>>, vector<256x4xf32>
    %dot_general3A = arith.constant dense<0.000000e+00> : vector<1024x4xf32>
    %dot_general3A_7 = tpu.matmul %get3A_3, %get3A_6, %dot_general3A {dimension_numbers = #tpu.dot_dimension_numbers<[1], [0], [0], [1], [0, 0, 1, 1], [], []>, transpose_lhs_hint = false} : vector<1024x256xf32>, vector<256x4xf32>, vector<1024x4xf32> -> vector<1024x4xf32>
    %get3A_8 = arith.constant 0 : index
    %get3A_9 = arith.constant 0 : index
    %get3A_10 = vector.load %arg3[%get3A_8, %get3A_9] : memref<256x4xf32, #tpu.memory_space<vmem>>, vector<256x4xf32>
    %dot_general3A_11 = arith.constant dense<0.000000e+00> : vector<1024x4xf32>
    %dot_general3A_12 = tpu.matmul %get3A_3, %get3A_10, %dot_general3A_11 {dimension_numbers = #tpu.dot_dimension_numbers<[1], [0], [0], [1], [0, 0, 1, 1], [], []>, transpose_lhs_hint = false} : vector<1024x256xf32>, vector<256x4xf32>, vector<1024x4xf32> -> vector<1024x4xf32>
    %mul3A = arith.constant 6.250000e-02 : f32
    %mul3A_13 = vector.broadcast %mul3A : f32 to vector<1024x4xf32>
    %mul3A_14 = arith.mulf %dot_general3A_7, %mul3A_13 : vector<1024x4xf32>
    %dot_general3A_15 = arith.constant dense<0.000000e+00> : vector<1024x1024xf32>
    %dot_general3A_16 = tpu.matmul %mul3A_14, %dot_general3A_12, %dot_general3A_15 {dimension_numbers = #tpu.dot_dimension_numbers<[1], [1], [0], [0], [0, 0, 1, 0], [], []>, transpose_lhs_hint = false} : vector<1024x4xf32>, vector<1024x4xf32>, vector<1024x1024xf32> -> vector<1024x1024xf32>
    %swap3A = arith.constant 0 : index
    %swap3A_17 = arith.constant 0 : index
    %swap3A_18 = vector.load %arg5[%swap3A, %swap3A_17] : memref<1024x1024xf32, #tpu.memory_space<vmem>>, vector<1024x1024xf32>
    tpu.vector_store %arg5[%swap3A, %swap3A_17], %dot_general3A_16 {strides = array<i32>} : memref<1024x1024xf32, #tpu.memory_space<vmem>>, vector<1024x1024xf32>,
    %reduce_max3A = arith.constant dense<0xFF800000> : vector<1024xf32>
    %reduce_max3A_19 = vector.multi_reduction <maximumf>, %dot_general3A_16, %reduce_max3A [1] : vector<1024x1024xf32> to vector<1024xf32>
    %broadcast_in_dim3A = vector.shape_cast %reduce_max3A_19 : vector<1024xf32> to vector<1024x1xf32>
    %get3A_20 = arith.constant 0 : index
    %get3A_21 = arith.constant 0 : index
    %get3A_22 = vector.load %arg5[%get3A_20, %get3A_21] : memref<1024x1024xf32, #tpu.memory_space<vmem>>, vector<1024x1024xf32>
    %sub3A = vector.broadcast %broadcast_in_dim3A : vector<1024x1xf32> to vector<1024x1024xf32>
    %sub3A_23 = arith.subf %get3A_22, %sub3A : vector<1024x1024xf32>
    %exp3A = math.exp %sub3A_23 : vector<1024x1024xf32>
    %reduce_sum3A = arith.constant dense<0.000000e+00> : vector<1024xf32>
    %reduce_sum3A_24 = vector.multi_reduction <add>, %exp3A, %reduce_sum3A [1] : vector<1024x1024xf32> to vector<1024xf32>
    %broadcast_in_dim3A_25 = vector.shape_cast %reduce_sum3A_24 : vector<1024xf32> to vector<1024x1xf32>
    %div3A = arith.constant 1.000000e+00 : f32
    %div3A_26 = vector.broadcast %div3A : f32 to vector<1024x1xf32>
    %div3A_27 = arith.divf %div3A_26, %broadcast_in_dim3A_25 : vector<1024x1xf32>
    %mul3A_28 = vector.broadcast %div3A_27 : vector<1024x1xf32> to vector<1024x1024xf32>
    %mul3A_29 = arith.mulf %exp3A, %mul3A_28 : vector<1024x1024xf32>
    %reduce_sum3A_30 = arith.constant dense<0.000000e+00> : vector<1024xf32>
    %reduce_sum3A_31 = vector.multi_reduction <add>, %mul3A_29, %reduce_sum3A_30 [0] : vector<1024x1024xf32> to vector<1024xf32>
    %broadcast_in_dim3A_32 = vector.shape_cast %reduce_sum3A_31 : vector<1024xf32> to vector<1x1024xf32>
    %swap3A_33 = arith.constant 0 : index
    %swap3A_34 = arith.constant 0 : index
    %swap3A_35 = arith.constant 0 : index
    %swap3A_36 = vector.load %arg4[%swap3A_33, %swap3A_34, %swap3A_35] : memref<8x1x1024xf32, #tpu.memory_space<vmem>>, vector<1x1x1024xf32>
    %swap3A_37 = vector.shape_cast %swap3A_36 : vector<1x1x1024xf32> to vector<1x1024xf32>
    %swap3A_38 = vector.shape_cast %broadcast_in_dim3A_32 : vector<1x1024xf32> to vector<1x1x1024xf32>
    tpu.vector_store %arg4[%swap3A_33, %swap3A_34, %swap3A_35], %swap3A_38 {strides = array<i32>} : memref<8x1x1024xf32, #tpu.memory_space<vmem>>, vector<1x1x1024xf32>,
    %get3A_39 = arith.constant 1 : index
    %get3A_40 = arith.constant 0 : index
    %get3A_41 = arith.constant 0 : index
    %get3A_42 = vector.load %arg1[%get3A_39, %get3A_40, %get3A_41] : memref<8x1024x256xf32, #tpu.memory_space<vmem>>, vector<1x1024x256xf32>
    %get3A_43 = vector.shape_cast %get3A_42 : vector<1x1024x256xf32> to vector<1024x256xf32>
    %get3A_44 = arith.constant 0 : index
    %get3A_45 = arith.constant 0 : index
    %get3A_46 = vector.load %arg2[%get3A_44, %get3A_45] : memref<256x4xf32, #tpu.memory_space<vmem>>, vector<256x4xf32>
    %dot_general3A_47 = arith.constant dense<0.000000e+00> : vector<1024x4xf32>
    %dot_general3A_48 = tpu.matmul %get3A_43, %get3A_46, %dot_general3A_47 {dimension_numbers = #tpu.dot_dimension_numbers<[1], [0], [0], [1], [0, 0, 1, 1], [], []>, transpose_lhs_hint = false} : vector<1024x256xf32>, vector<256x4xf32>, vector<1024x4xf32> -> vector<1024x4xf32>
    %get3A_49 = arith.constant 0 : index
    %get3A_50 = arith.constant 0 : index
    %get3A_51 = vector.load %arg3[%get3A_49, %get3A_50] : memref<256x4xf32, #tpu.memory_space<vmem>>, vector<256x4xf32>
    %dot_general3A_52 = arith.constant dense<0.000000e+00> : vector<1024x4xf32>
    %dot_general3A_53 = tpu.matmul %get3A_43, %get3A_51, %dot_general3A_52 {dimension_numbers = #tpu.dot_dimension_numbers<[1], [0], [0], [1], [0, 0, 1, 1], [], []>, transpose_lhs_hint = false} : vector<1024x256xf32>, vector<256x4xf32>, vector<1024x4xf32> -> vector<1024x4xf32>
    %mul3A_54 = arith.constant 6.250000e-02 : f32
    %mul3A_55 = vector.broadcast %mul3A_54 : f32 to vector<1024x4xf32>
    %mul3A_56 = arith.mulf %dot_general3A_48, %mul3A_55 : vector<1024x4xf32>
    %dot_general3A_57 = arith.constant dense<0.000000e+00> : vector<1024x1024xf32>
    %dot_general3A_58 = tpu.matmul %mul3A_56, %dot_general3A_53, %dot_general3A_57 {dimension_numbers = #tpu.dot_dimension_numbers<[1], [1], [0], [0], [0, 0, 1, 0], [], []>, transpose_lhs_hint = false} : vector<1024x4xf32>, vector<1024x4xf32>, vector<1024x1024xf32> -> vector<1024x1024xf32>
    %swap3A_59 = arith.constant 0 : index
    %swap3A_60 = arith.constant 0 : index
    %swap3A_61 = vector.load %arg5[%swap3A_59, %swap3A_60] : memref<1024x1024xf32, #tpu.memory_space<vmem>>, vector<1024x1024xf32>
    tpu.vector_store %arg5[%swap3A_59, %swap3A_60], %dot_general3A_58 {strides = array<i32>} : memref<1024x1024xf32, #tpu.memory_space<vmem>>, vector<1024x1024xf32>,
    %reduce_max3A_62 = arith.constant dense<0xFF800000> : vector<1024xf32>
    %reduce_max3A_63 = vector.multi_reduction <maximumf>, %dot_general3A_58, %reduce_max3A_62 [1] : vector<1024x1024xf32> to vector<1024xf32>
    %broadcast_in_dim3A_64 = vector.shape_cast %reduce_max3A_63 : vector<1024xf32> to vector<1024x1xf32>
    %get3A_65 = arith.constant 0 : index
    %get3A_66 = arith.constant 0 : index
    %get3A_67 = vector.load %arg5[%get3A_65, %get3A_66] : memref<1024x1024xf32, #tpu.memory_space<vmem>>, vector<1024x1024xf32>
    %sub3A_68 = vector.broadcast %broadcast_in_dim3A_64 : vector<1024x1xf32> to vector<1024x1024xf32>
    %sub3A_69 = arith.subf %get3A_67, %sub3A_68 : vector<1024x1024xf32>
    %exp3A_70 = math.exp %sub3A_69 : vector<1024x1024xf32>
    %reduce_sum3A_71 = arith.constant dense<0.000000e+00> : vector<1024xf32>
    %reduce_sum3A_72 = vector.multi_reduction <add>, %exp3A_70, %reduce_sum3A_71 [1] : vector<1024x1024xf32> to vector<1024xf32>
    %broadcast_in_dim3A_73 = vector.shape_cast %reduce_sum3A_72 : vector<1024xf32> to vector<1024x1xf32>
    %div3A_74 = arith.constant 1.000000e+00 : f32
    %div3A_75 = vector.broadcast %div3A_74 : f32 to vector<1024x1xf32>
    %div3A_76 = arith.divf %div3A_75, %broadcast_in_dim3A_73 : vector<1024x1xf32>
    %mul3A_77 = vector.broadcast %div3A_76 : vector<1024x1xf32> to vector<1024x1024xf32>
    %mul3A_78 = arith.mulf %exp3A_70, %mul3A_77 : vector<1024x1024xf32>
    %reduce_sum3A_79 = arith.constant dense<0.000000e+00> : vector<1024xf32>
    %reduce_sum3A_80 = vector.multi_reduction <add>, %mul3A_78, %reduce_sum3A_79 [0] : vector<1024x1024xf32> to vector<1024xf32>
    %broadcast_in_dim3A_81 = vector.shape_cast %reduce_sum3A_80 : vector<1024xf32> to vector<1x1024xf32>
    %swap3A_82 = arith.constant 1 : index
    %swap3A_83 = arith.constant 0 : index
    %swap3A_84 = arith.constant 0 : index
    %swap3A_85 = vector.load %arg4[%swap3A_82, %swap3A_83, %swap3A_84] : memref<8x1x1024xf32, #tpu.memory_space<vmem>>, vector<1x1x1024xf32>
    %swap3A_86 = vector.shape_cast %swap3A_85 : vector<1x1x1024xf32> to vector<1x1024xf32>
    %swap3A_87 = vector.shape_cast %broadcast_in_dim3A_81 : vector<1x1024xf32> to vector<1x1x1024xf32>
    tpu.vector_store %arg4[%swap3A_82, %swap3A_83, %swap3A_84], %swap3A_87 {strides = array<i32>} : memref<8x1x1024xf32, #tpu.memory_space<vmem>>, vector<1x1x1024xf32>,
    %get3A_88 = arith.constant 2 : index
    %get3A_89 = arith.constant 0 : index
    %get3A_90 = arith.constant 0 : index
    %get3A_91 = vector.load %arg1[%get3A_88, %get3A_89, %get3A_90] : memref<8x1024x256xf32, #tpu.memory_space<vmem>>, vector<1x1024x256xf32>
    %get3A_92 = vector.shape_cast %get3A_91 : vector<1x1024x256xf32> to vector<1024x256xf32>
    %get3A_93 = arith.constant 0 : index
    %get3A_94 = arith.constant 0 : index
    %get3A_95 = vector.load %arg2[%get3A_93, %get3A_94] : memref<256x4xf32, #tpu.memory_space<vmem>>, vector<256x4xf32>
    %dot_general3A_96 = arith.constant dense<0.000000e+00> : vector<1024x4xf32>
    %dot_general3A_97 = tpu.matmul %get3A_92, %get3A_95, %dot_general3A_96 {dimension_numbers = #tpu.dot_dimension_numbers<[1], [0], [0], [1], [0, 0, 1, 1], [], []>, transpose_lhs_hint = false} : vector<1024x256xf32>, vector<256x4xf32>, vector<1024x4xf32> -> vector<1024x4xf32>
    %get3A_98 = arith.constant 0 : index
    %get3A_99 = arith.constant 0 : index
    %get3A_100 = vector.load %arg3[%get3A_98, %get3A_99] : memref<256x4xf32, #tpu.memory_space<vmem>>, vector<256x4xf32>
    %dot_general3A_101 = arith.constant dense<0.000000e+00> : vector<1024x4xf32>
    %dot_general3A_102 = tpu.matmul %get3A_92, %get3A_100, %dot_general3A_101 {dimension_numbers = #tpu.dot_dimension_numbers<[1], [0], [0], [1], [0, 0, 1, 1], [], []>, transpose_lhs_hint = false} : vector<1024x256xf32>, vector<256x4xf32>, vector<1024x4xf32> -> vector<1024x4xf32>
    %mul3A_103 = arith.constant 6.250000e-02 : f32
    %mul3A_104 = vector.broadcast %mul3A_103 : f32 to vector<1024x4xf32>
    %mul3A_105 = arith.mulf %dot_general3A_97, %mul3A_104 : vector<1024x4xf32>
    %dot_general3A_106 = arith.constant dense<0.000000e+00> : vector<1024x1024xf32>
    %dot_general3A_107 = tpu.matmul %mul3A_105, %dot_general3A_102, %dot_general3A_106 {dimension_numbers = #tpu.dot_dimension_numbers<[1], [1], [0], [0], [0, 0, 1, 0], [], []>, transpose_lhs_hint = false} : vector<1024x4xf32>, vector<1024x4xf32>, vector<1024x1024xf32> -> vector<1024x1024xf32>
    %swap3A_108 = arith.constant 0 : index
    %swap3A_109 = arith.constant 0 : index
    %swap3A_110 = vector.load %arg5[%swap3A_108, %swap3A_109] : memref<1024x1024xf32, #tpu.memory_space<vmem>>, vector<1024x1024xf32>
    tpu.vector_store %arg5[%swap3A_108, %swap3A_109], %dot_general3A_107 {strides = array<i32>} : memref<1024x1024xf32, #tpu.memory_space<vmem>>, vector<1024x1024xf32>,
    %reduce_max3A_111 = arith.constant dense<0xFF800000> : vector<1024xf32>
    %reduce_max3A_112 = vector.multi_reduction <maximumf>, %dot_general3A_107, %reduce_max3A_111 [1] : vector<1024x1024xf32> to vector<1024xf32>
    %broadcast_in_dim3A_113 = vector.shape_cast %reduce_max3A_112 : vector<1024xf32> to vector<1024x1xf32>
    %get3A_114 = arith.constant 0 : index
    %get3A_115 = arith.constant 0 : index
    %get3A_116 = vector.load %arg5[%get3A_114, %get3A_115] : memref<1024x1024xf32, #tpu.memory_space<vmem>>, vector<1024x1024xf32>
    %sub3A_117 = vector.broadcast %broadcast_in_dim3A_113 : vector<1024x1xf32> to vector<1024x1024xf32>
    %sub3A_118 = arith.subf %get3A_116, %sub3A_117 : vector<1024x1024xf32>
    %exp3A_119 = math.exp %sub3A_118 : vector<1024x1024xf32>
    %reduce_sum3A_120 = arith.constant dense<0.000000e+00> : vector<1024xf32>
    %reduce_sum3A_121 = vector.multi_reduction <add>, %exp3A_119, %reduce_sum3A_120 [1] : vector<1024x1024xf32> to vector<1024xf32>
    %broadcast_in_dim3A_122 = vector.shape_cast %reduce_sum3A_121 : vector<1024xf32> to vector<1024x1xf32>
    %div3A_123 = arith.constant 1.000000e+00 : f32
    %div3A_124 = vector.broadcast %div3A_123 : f32 to vector<1024x1xf32>
    %div3A_125 = arith.divf %div3A_124, %broadcast_in_dim3A_122 : vector<1024x1xf32>
    %mul3A_126 = vector.broadcast %div3A_125 : vector<1024x1xf32> to vector<1024x1024xf32>
    %mul3A_127 = arith.mulf %exp3A_119, %mul3A_126 : vector<1024x1024xf32>
    %reduce_sum3A_128 = arith.constant dense<0.000000e+00> : vector<1024xf32>
    %reduce_sum3A_129 = vector.multi_reduction <add>, %mul3A_127, %reduce_sum3A_128 [0] : vector<1024x1024xf32> to vector<1024xf32>
    %broadcast_in_dim3A_130 = vector.shape_cast %reduce_sum3A_129 : vector<1024xf32> to vector<1x1024xf32>
    %swap3A_131 = arith.constant 2 : index
    %swap3A_132 = arith.constant 0 : index
    %swap3A_133 = arith.constant 0 : index
    %swap3A_134 = vector.load %arg4[%swap3A_131, %swap3A_132, %swap3A_133] : memref<8x1x1024xf32, #tpu.memory_space<vmem>>, vector<1x1x1024xf32>
    %swap3A_135 = vector.shape_cast %swap3A_134 : vector<1x1x1024xf32> to vector<1x1024xf32>
    %swap3A_136 = vector.shape_cast %broadcast_in_dim3A_130 : vector<1x1024xf32> to vector<1x1x1024xf32>
    tpu.vector_store %arg4[%swap3A_131, %swap3A_132, %swap3A_133], %swap3A_136 {strides = array<i32>} : memref<8x1x1024xf32, #tpu.memory_space<vmem>>, vector<1x1x1024xf32>,
    %get3A_137 = arith.constant 3 : index
    %get3A_138 = arith.constant 0 : index
    %get3A_139 = arith.constant 0 : index
    %get3A_140 = vector.load %arg1[%get3A_137, %get3A_138, %get3A_139] : memref<8x1024x256xf32, #tpu.memory_space<vmem>>, vector<1x1024x256xf32>
    %get3A_141 = vector.shape_cast %get3A_140 : vector<1x1024x256xf32> to vector<1024x256xf32>
    %get3A_142 = arith.constant 0 : index
    %get3A_143 = arith.constant 0 : index
    %get3A_144 = vector.load %arg2[%get3A_142, %get3A_143] : memref<256x4xf32, #tpu.memory_space<vmem>>, vector<256x4xf32>
    %dot_general3A_145 = arith.constant dense<0.000000e+00> : vector<1024x4xf32>
    %dot_general3A_146 = tpu.matmul %get3A_141, %get3A_144, %dot_general3A_145 {dimension_numbers = #tpu.dot_dimension_numbers<[1], [0], [0], [1], [0, 0, 1, 1], [], []>, transpose_lhs_hint = false} : vector<1024x256xf32>, vector<256x4xf32>, vector<1024x4xf32> -> vector<1024x4xf32>
    %get3A_147 = arith.constant 0 : index
    %get3A_148 = arith.constant 0 : index
    %get3A_149 = vector.load %arg3[%get3A_147, %get3A_148] : memref<256x4xf32, #tpu.memory_space<vmem>>, vector<256x4xf32>
    %dot_general3A_150 = arith.constant dense<0.000000e+00> : vector<1024x4xf32>
    %dot_general3A_151 = tpu.matmul %get3A_141, %get3A_149, %dot_general3A_150 {dimension_numbers = #tpu.dot_dimension_numbers<[1], [0], [0], [1], [0, 0, 1, 1], [], []>, transpose_lhs_hint = false} : vector<1024x256xf32>, vector<256x4xf32>, vector<1024x4xf32> -> vector<1024x4xf32>
    %mul3A_152 = arith.constant 6.250000e-02 : f32
    %mul3A_153 = vector.broadcast %mul3A_152 : f32 to vector<1024x4xf32>
    %mul3A_154 = arith.mulf %dot_general3A_146, %mul3A_153 : vector<1024x4xf32>
    %dot_general3A_155 = arith.constant dense<0.000000e+00> : vector<1024x1024xf32>
    %dot_general3A_156 = tpu.matmul %mul3A_154, %dot_general3A_151, %dot_general3A_155 {dimension_numbers = #tpu.dot_dimension_numbers<[1], [1], [0], [0], [0, 0, 1, 0], [], []>, transpose_lhs_hint = false} : vector<1024x4xf32>, vector<1024x4xf32>, vector<1024x1024xf32> -> vector<1024x1024xf32>
    %swap3A_157 = arith.constant 0 : index
    %swap3A_158 = arith.constant 0 : index
    %swap3A_159 = vector.load %arg5[%swap3A_157, %swap3A_158] : memref<1024x1024xf32, #tpu.memory_space<vmem>>, vector<1024x1024xf32>
    tpu.vector_store %arg5[%swap3A_157, %swap3A_158], %dot_general3A_156 {strides = array<i32>} : memref<1024x1024xf32, #tpu.memory_space<vmem>>, vector<1024x1024xf32>,
    %reduce_max3A_160 = arith.constant dense<0xFF800000> : vector<1024xf32>
    %reduce_max3A_161 = vector.multi_reduction <maximumf>, %dot_general3A_156, %reduce_max3A_160 [1] : vector<1024x1024xf32> to vector<1024xf32>
    %broadcast_in_dim3A_162 = vector.shape_cast %reduce_max3A_161 : vector<1024xf32> to vector<1024x1xf32>
    %get3A_163 = arith.constant 0 : index
    %get3A_164 = arith.constant 0 : index
    %get3A_165 = vector.load %arg5[%get3A_163, %get3A_164] : memref<1024x1024xf32, #tpu.memory_space<vmem>>, vector<1024x1024xf32>
    %sub3A_166 = vector.broadcast %broadcast_in_dim3A_162 : vector<1024x1xf32> to vector<1024x1024xf32>
    %sub3A_167 = arith.subf %get3A_165, %sub3A_166 : vector<1024x1024xf32>
    %exp3A_168 = math.exp %sub3A_167 : vector<1024x1024xf32>
    %reduce_sum3A_169 = arith.constant dense<0.000000e+00> : vector<1024xf32>
    %reduce_sum3A_170 = vector.multi_reduction <add>, %exp3A_168, %reduce_sum3A_169 [1] : vector<1024x1024xf32> to vector<1024xf32>
    %broadcast_in_dim3A_171 = vector.shape_cast %reduce_sum3A_170 : vector<1024xf32> to vector<1024x1xf32>
    %div3A_172 = arith.constant 1.000000e+00 : f32
    %div3A_173 = vector.broadcast %div3A_172 : f32 to vector<1024x1xf32>
    %div3A_174 = arith.divf %div3A_173, %broadcast_in_dim3A_171 : vector<1024x1xf32>
    %mul3A_175 = vector.broadcast %div3A_174 : vector<1024x1xf32> to vector<1024x1024xf32>
    %mul3A_176 = arith.mulf %exp3A_168, %mul3A_175 : vector<1024x1024xf32>
    %reduce_sum3A_177 = arith.constant dense<0.000000e+00> : vector<1024xf32>
    %reduce_sum3A_178 = vector.multi_reduction <add>, %mul3A_176, %reduce_sum3A_177 [0] : vector<1024x1024xf32> to vector<1024xf32>
    %broadcast_in_dim3A_179 = vector.shape_cast %reduce_sum3A_178 : vector<1024xf32> to vector<1x1024xf32>
    %swap3A_180 = arith.constant 3 : index
    %swap3A_181 = arith.constant 0 : index
    %swap3A_182 = arith.constant 0 : index
    %swap3A_183 = vector.load %arg4[%swap3A_180, %swap3A_181, %swap3A_182] : memref<8x1x1024xf32, #tpu.memory_space<vmem>>, vector<1x1x1024xf32>
    %swap3A_184 = vector.shape_cast %swap3A_183 : vector<1x1x1024xf32> to vector<1x1024xf32>
    %swap3A_185 = vector.shape_cast %broadcast_in_dim3A_179 : vector<1x1024xf32> to vector<1x1x1024xf32>
    tpu.vector_store %arg4[%swap3A_180, %swap3A_181, %swap3A_182], %swap3A_185 {strides = array<i32>} : memref<8x1x1024xf32, #tpu.memory_space<vmem>>, vector<1x1x1024xf32>,
    %get3A_186 = arith.constant 4 : index
    %get3A_187 = arith.constant 0 : index
    %get3A_188 = arith.constant 0 : index
    %get3A_189 = vector.load %arg1[%get3A_186, %get3A_187, %get3A_188] : memref<8x1024x256xf32, #tpu.memory_space<vmem>>, vector<1x1024x256xf32>
    %get3A_190 = vector.shape_cast %get3A_189 : vector<1x1024x256xf32> to vector<1024x256xf32>
    %get3A_191 = arith.constant 0 : index
    %get3A_192 = arith.constant 0 : index
    %get3A_193 = vector.load %arg2[%get3A_191, %get3A_192] : memref<256x4xf32, #tpu.memory_space<vmem>>, vector<256x4xf32>
    %dot_general3A_194 = arith.constant dense<0.000000e+00> : vector<1024x4xf32>
    %dot_general3A_195 = tpu.matmul %get3A_190, %get3A_193, %dot_general3A_194 {dimension_numbers = #tpu.dot_dimension_numbers<[1], [0], [0], [1], [0, 0, 1, 1], [], []>, transpose_lhs_hint = false} : vector<1024x256xf32>, vector<256x4xf32>, vector<1024x4xf32> -> vector<1024x4xf32>
    %get3A_196 = arith.constant 0 : index
    %get3A_197 = arith.constant 0 : index
    %get3A_198 = vector.load %arg3[%get3A_196, %get3A_197] : memref<256x4xf32, #tpu.memory_space<vmem>>, vector<256x4xf32>
    %dot_general3A_199 = arith.constant dense<0.000000e+00> : vector<1024x4xf32>
    %dot_general3A_200 = tpu.matmul %get3A_190, %get3A_198, %dot_general3A_199 {dimension_numbers = #tpu.dot_dimension_numbers<[1], [0], [0], [1], [0, 0, 1, 1], [], []>, transpose_lhs_hint = false} : vector<1024x256xf32>, vector<256x4xf32>, vector<1024x4xf32> -> vector<1024x4xf32>
    %mul3A_201 = arith.constant 6.250000e-02 : f32
    %mul3A_202 = vector.broadcast %mul3A_201 : f32 to vector<1024x4xf32>
    %mul3A_203 = arith.mulf %dot_general3A_195, %mul3A_202 : vector<1024x4xf32>
    %dot_general3A_204 = arith.constant dense<0.000000e+00> : vector<1024x1024xf32>
    %dot_general3A_205 = tpu.matmul %mul3A_203, %dot_general3A_200, %dot_general3A_204 {dimension_numbers = #tpu.dot_dimension_numbers<[1], [1], [0], [0], [0, 0, 1, 0], [], []>, transpose_lhs_hint = false} : vector<1024x4xf32>, vector<1024x4xf32>, vector<1024x1024xf32> -> vector<1024x1024xf32>
    %swap3A_206 = arith.constant 0 : index
    %swap3A_207 = arith.constant 0 : index
    %swap3A_208 = vector.load %arg5[%swap3A_206, %swap3A_207] : memref<1024x1024xf32, #tpu.memory_space<vmem>>, vector<1024x1024xf32>
    tpu.vector_store %arg5[%swap3A_206, %swap3A_207], %dot_general3A_205 {strides = array<i32>} : memref<1024x1024xf32, #tpu.memory_space<vmem>>, vector<1024x1024xf32>,
    %reduce_max3A_209 = arith.constant dense<0xFF800000> : vector<1024xf32>
    %reduce_max3A_210 = vector.multi_reduction <maximumf>, %dot_general3A_205, %reduce_max3A_209 [1] : vector<1024x1024xf32> to vector<1024xf32>
    %broadcast_in_dim3A_211 = vector.shape_cast %reduce_max3A_210 : vector<1024xf32> to vector<1024x1xf32>
    %get3A_212 = arith.constant 0 : index
    %get3A_213 = arith.constant 0 : index
    %get3A_214 = vector.load %arg5[%get3A_212, %get3A_213] : memref<1024x1024xf32, #tpu.memory_space<vmem>>, vector<1024x1024xf32>
    %sub3A_215 = vector.broadcast %broadcast_in_dim3A_211 : vector<1024x1xf32> to vector<1024x1024xf32>
    %sub3A_216 = arith.subf %get3A_214, %sub3A_215 : vector<1024x1024xf32>
    %exp3A_217 = math.exp %sub3A_216 : vector<1024x1024xf32>
    %reduce_sum3A_218 = arith.constant dense<0.000000e+00> : vector<1024xf32>
    %reduce_sum3A_219 = vector.multi_reduction <add>, %exp3A_217, %reduce_sum3A_218 [1] : vector<1024x1024xf32> to vector<1024xf32>
    %broadcast_in_dim3A_220 = vector.shape_cast %reduce_sum3A_219 : vector<1024xf32> to vector<1024x1xf32>
    %div3A_221 = arith.constant 1.000000e+00 : f32
    %div3A_222 = vector.broadcast %div3A_221 : f32 to vector<1024x1xf32>
    %div3A_223 = arith.divf %div3A_222, %broadcast_in_dim3A_220 : vector<1024x1xf32>
    %mul3A_224 = vector.broadcast %div3A_223 : vector<1024x1xf32> to vector<1024x1024xf32>
    %mul3A_225 = arith.mulf %exp3A_217, %mul3A_224 : vector<1024x1024xf32>
    %reduce_sum3A_226 = arith.constant dense<0.000000e+00> : vector<1024xf32>
    %reduce_sum3A_227 = vector.multi_reduction <add>, %mul3A_225, %reduce_sum3A_226 [0] : vector<1024x1024xf32> to vector<1024xf32>
    %broadcast_in_dim3A_228 = vector.shape_cast %reduce_sum3A_227 : vector<1024xf32> to vector<1x1024xf32>
    %swap3A_229 = arith.constant 4 : index
    %swap3A_230 = arith.constant 0 : index
    %swap3A_231 = arith.constant 0 : index
    %swap3A_232 = vector.load %arg4[%swap3A_229, %swap3A_230, %swap3A_231] : memref<8x1x1024xf32, #tpu.memory_space<vmem>>, vector<1x1x1024xf32>
    %swap3A_233 = vector.shape_cast %swap3A_232 : vector<1x1x1024xf32> to vector<1x1024xf32>
    %swap3A_234 = vector.shape_cast %broadcast_in_dim3A_228 : vector<1x1024xf32> to vector<1x1x1024xf32>
    tpu.vector_store %arg4[%swap3A_229, %swap3A_230, %swap3A_231], %swap3A_234 {strides = array<i32>} : memref<8x1x1024xf32, #tpu.memory_space<vmem>>, vector<1x1x1024xf32>,
    %get3A_235 = arith.constant 5 : index
    %get3A_236 = arith.constant 0 : index
    %get3A_237 = arith.constant 0 : index
    %get3A_238 = vector.load %arg1[%get3A_235, %get3A_236, %get3A_237] : memref<8x1024x256xf32, #tpu.memory_space<vmem>>, vector<1x1024x256xf32>
    %get3A_239 = vector.shape_cast %get3A_238 : vector<1x1024x256xf32> to vector<1024x256xf32>
    %get3A_240 = arith.constant 0 : index
    %get3A_241 = arith.constant 0 : index
    %get3A_242 = vector.load %arg2[%get3A_240, %get3A_241] : memref<256x4xf32, #tpu.memory_space<vmem>>, vector<256x4xf32>
    %dot_general3A_243 = arith.constant dense<0.000000e+00> : vector<1024x4xf32>
    %dot_general3A_244 = tpu.matmul %get3A_239, %get3A_242, %dot_general3A_243 {dimension_numbers = #tpu.dot_dimension_numbers<[1], [0], [0], [1], [0, 0, 1, 1], [], []>, transpose_lhs_hint = false} : vector<1024x256xf32>, vector<256x4xf32>, vector<1024x4xf32> -> vector<1024x4xf32>
    %get3A_245 = arith.constant 0 : index
    %get3A_246 = arith.constant 0 : index
    %get3A_247 = vector.load %arg3[%get3A_245, %get3A_246] : memref<256x4xf32, #tpu.memory_space<vmem>>, vector<256x4xf32>
    %dot_general3A_248 = arith.constant dense<0.000000e+00> : vector<1024x4xf32>
    %dot_general3A_249 = tpu.matmul %get3A_239, %get3A_247, %dot_general3A_248 {dimension_numbers = #tpu.dot_dimension_numbers<[1], [0], [0], [1], [0, 0, 1, 1], [], []>, transpose_lhs_hint = false} : vector<1024x256xf32>, vector<256x4xf32>, vector<1024x4xf32> -> vector<1024x4xf32>
    %mul3A_250 = arith.constant 6.250000e-02 : f32
    %mul3A_251 = vector.broadcast %mul3A_250 : f32 to vector<1024x4xf32>
    %mul3A_252 = arith.mulf %dot_general3A_244, %mul3A_251 : vector<1024x4xf32>
    %dot_general3A_253 = arith.constant dense<0.000000e+00> : vector<1024x1024xf32>
    %dot_general3A_254 = tpu.matmul %mul3A_252, %dot_general3A_249, %dot_general3A_253 {dimension_numbers = #tpu.dot_dimension_numbers<[1], [1], [0], [0], [0, 0, 1, 0], [], []>, transpose_lhs_hint = false} : vector<1024x4xf32>, vector<1024x4xf32>, vector<1024x1024xf32> -> vector<1024x1024xf32>
    %swap3A_255 = arith.constant 0 : index
    %swap3A_256 = arith.constant 0 : index
    %swap3A_257 = vector.load %arg5[%swap3A_255, %swap3A_256] : memref<1024x1024xf32, #tpu.memory_space<vmem>>, vector<1024x1024xf32>
    tpu.vector_store %arg5[%swap3A_255, %swap3A_256], %dot_general3A_254 {strides = array<i32>} : memref<1024x1024xf32, #tpu.memory_space<vmem>>, vector<1024x1024xf32>,
    %reduce_max3A_258 = arith.constant dense<0xFF800000> : vector<1024xf32>
    %reduce_max3A_259 = vector.multi_reduction <maximumf>, %dot_general3A_254, %reduce_max3A_258 [1] : vector<1024x1024xf32> to vector<1024xf32>
    %broadcast_in_dim3A_260 = vector.shape_cast %reduce_max3A_259 : vector<1024xf32> to vector<1024x1xf32>
    %get3A_261 = arith.constant 0 : index
    %get3A_262 = arith.constant 0 : index
    %get3A_263 = vector.load %arg5[%get3A_261, %get3A_262] : memref<1024x1024xf32, #tpu.memory_space<vmem>>, vector<1024x1024xf32>
    %sub3A_264 = vector.broadcast %broadcast_in_dim3A_260 : vector<1024x1xf32> to vector<1024x1024xf32>
    %sub3A_265 = arith.subf %get3A_263, %sub3A_264 : vector<1024x1024xf32>
    %exp3A_266 = math.exp %sub3A_265 : vector<1024x1024xf32>
    %reduce_sum3A_267 = arith.constant dense<0.000000e+00> : vector<1024xf32>
    %reduce_sum3A_268 = vector.multi_reduction <add>, %exp3A_266, %reduce_sum3A_267 [1] : vector<1024x1024xf32> to vector<1024xf32>
    %broadcast_in_dim3A_269 = vector.shape_cast %reduce_sum3A_268 : vector<1024xf32> to vector<1024x1xf32>
    %div3A_270 = arith.constant 1.000000e+00 : f32
    %div3A_271 = vector.broadcast %div3A_270 : f32 to vector<1024x1xf32>
    %div3A_272 = arith.divf %div3A_271, %broadcast_in_dim3A_269 : vector<1024x1xf32>
    %mul3A_273 = vector.broadcast %div3A_272 : vector<1024x1xf32> to vector<1024x1024xf32>
    %mul3A_274 = arith.mulf %exp3A_266, %mul3A_273 : vector<1024x1024xf32>
    %reduce_sum3A_275 = arith.constant dense<0.000000e+00> : vector<1024xf32>
    %reduce_sum3A_276 = vector.multi_reduction <add>, %mul3A_274, %reduce_sum3A_275 [0] : vector<1024x1024xf32> to vector<1024xf32>
    %broadcast_in_dim3A_277 = vector.shape_cast %reduce_sum3A_276 : vector<1024xf32> to vector<1x1024xf32>
    %swap3A_278 = arith.constant 5 : index
    %swap3A_279 = arith.constant 0 : index
    %swap3A_280 = arith.constant 0 : index
    %swap3A_281 = vector.load %arg4[%swap3A_278, %swap3A_279, %swap3A_280] : memref<8x1x1024xf32, #tpu.memory_space<vmem>>, vector<1x1x1024xf32>
    %swap3A_282 = vector.shape_cast %swap3A_281 : vector<1x1x1024xf32> to vector<1x1024xf32>
    %swap3A_283 = vector.shape_cast %broadcast_in_dim3A_277 : vector<1x1024xf32> to vector<1x1x1024xf32>
    tpu.vector_store %arg4[%swap3A_278, %swap3A_279, %swap3A_280], %swap3A_283 {strides = array<i32>} : memref<8x1x1024xf32, #tpu.memory_space<vmem>>, vector<1x1x1024xf32>,
    %get3A_284 = arith.constant 6 : index
    %get3A_285 = arith.constant 0 : index
    %get3A_286 = arith.constant 0 : index
    %get3A_287 = vector.load %arg1[%get3A_284, %get3A_285, %get3A_286] : memref<8x1024x256xf32, #tpu.memory_space<vmem>>, vector<1x1024x256xf32>
    %get3A_288 = vector.shape_cast %get3A_287 : vector<1x1024x256xf32> to vector<1024x256xf32>
    %get3A_289 = arith.constant 0 : index
    %get3A_290 = arith.constant 0 : index
    %get3A_291 = vector.load %arg2[%get3A_289, %get3A_290] : memref<256x4xf32, #tpu.memory_space<vmem>>, vector<256x4xf32>
    %dot_general3A_292 = arith.constant dense<0.000000e+00> : vector<1024x4xf32>
    %dot_general3A_293 = tpu.matmul %get3A_288, %get3A_291, %dot_general3A_292 {dimension_numbers = #tpu.dot_dimension_numbers<[1], [0], [0], [1], [0, 0, 1, 1], [], []>, transpose_lhs_hint = false} : vector<1024x256xf32>, vector<256x4xf32>, vector<1024x4xf32> -> vector<1024x4xf32>
    %get3A_294 = arith.constant 0 : index
    %get3A_295 = arith.constant 0 : index
    %get3A_296 = vector.load %arg3[%get3A_294, %get3A_295] : memref<256x4xf32, #tpu.memory_space<vmem>>, vector<256x4xf32>
    %dot_general3A_297 = arith.constant dense<0.000000e+00> : vector<1024x4xf32>
    %dot_general3A_298 = tpu.matmul %get3A_288, %get3A_296, %dot_general3A_297 {dimension_numbers = #tpu.dot_dimension_numbers<[1], [0], [0], [1], [0, 0, 1, 1], [], []>, transpose_lhs_hint = false} : vector<1024x256xf32>, vector<256x4xf32>, vector<1024x4xf32> -> vector<1024x4xf32>
    %mul3A_299 = arith.constant 6.250000e-02 : f32
    %mul3A_300 = vector.broadcast %mul3A_299 : f32 to vector<1024x4xf32>
    %mul3A_301 = arith.mulf %dot_general3A_293, %mul3A_300 : vector<1024x4xf32>
    %dot_general3A_302 = arith.constant dense<0.000000e+00> : vector<1024x1024xf32>
    %dot_general3A_303 = tpu.matmul %mul3A_301, %dot_general3A_298, %dot_general3A_302 {dimension_numbers = #tpu.dot_dimension_numbers<[1], [1], [0], [0], [0, 0, 1, 0], [], []>, transpose_lhs_hint = false} : vector<1024x4xf32>, vector<1024x4xf32>, vector<1024x1024xf32> -> vector<1024x1024xf32>
    %swap3A_304 = arith.constant 0 : index
    %swap3A_305 = arith.constant 0 : index
    %swap3A_306 = vector.load %arg5[%swap3A_304, %swap3A_305] : memref<1024x1024xf32, #tpu.memory_space<vmem>>, vector<1024x1024xf32>
    tpu.vector_store %arg5[%swap3A_304, %swap3A_305], %dot_general3A_303 {strides = array<i32>} : memref<1024x1024xf32, #tpu.memory_space<vmem>>, vector<1024x1024xf32>,
    %reduce_max3A_307 = arith.constant dense<0xFF800000> : vector<1024xf32>
    %reduce_max3A_308 = vector.multi_reduction <maximumf>, %dot_general3A_303, %reduce_max3A_307 [1] : vector<1024x1024xf32> to vector<1024xf32>
    %broadcast_in_dim3A_309 = vector.shape_cast %reduce_max3A_308 : vector<1024xf32> to vector<1024x1xf32>
    %get3A_310 = arith.constant 0 : index
    %get3A_311 = arith.constant 0 : index
    %get3A_312 = vector.load %arg5[%get3A_310, %get3A_311] : memref<1024x1024xf32, #tpu.memory_space<vmem>>, vector<1024x1024xf32>
    %sub3A_313 = vector.broadcast %broadcast_in_dim3A_309 : vector<1024x1xf32> to vector<1024x1024xf32>
    %sub3A_314 = arith.subf %get3A_312, %sub3A_313 : vector<1024x1024xf32>
    %exp3A_315 = math.exp %sub3A_314 : vector<1024x1024xf32>
    %reduce_sum3A_316 = arith.constant dense<0.000000e+00> : vector<1024xf32>
    %reduce_sum3A_317 = vector.multi_reduction <add>, %exp3A_315, %reduce_sum3A_316 [1] : vector<1024x1024xf32> to vector<1024xf32>
    %broadcast_in_dim3A_318 = vector.shape_cast %reduce_sum3A_317 : vector<1024xf32> to vector<1024x1xf32>
    %div3A_319 = arith.constant 1.000000e+00 : f32
    %div3A_320 = vector.broadcast %div3A_319 : f32 to vector<1024x1xf32>
    %div3A_321 = arith.divf %div3A_320, %broadcast_in_dim3A_318 : vector<1024x1xf32>
    %mul3A_322 = vector.broadcast %div3A_321 : vector<1024x1xf32> to vector<1024x1024xf32>
    %mul3A_323 = arith.mulf %exp3A_315, %mul3A_322 : vector<1024x1024xf32>
    %reduce_sum3A_324 = arith.constant dense<0.000000e+00> : vector<1024xf32>
    %reduce_sum3A_325 = vector.multi_reduction <add>, %mul3A_323, %reduce_sum3A_324 [0] : vector<1024x1024xf32> to vector<1024xf32>
    %broadcast_in_dim3A_326 = vector.shape_cast %reduce_sum3A_325 : vector<1024xf32> to vector<1x1024xf32>
    %swap3A_327 = arith.constant 6 : index
    %swap3A_328 = arith.constant 0 : index
    %swap3A_329 = arith.constant 0 : index
    %swap3A_330 = vector.load %arg4[%swap3A_327, %swap3A_328, %swap3A_329] : memref<8x1x1024xf32, #tpu.memory_space<vmem>>, vector<1x1x1024xf32>
    %swap3A_331 = vector.shape_cast %swap3A_330 : vector<1x1x1024xf32> to vector<1x1024xf32>
    %swap3A_332 = vector.shape_cast %broadcast_in_dim3A_326 : vector<1x1024xf32> to vector<1x1x1024xf32>
    tpu.vector_store %arg4[%swap3A_327, %swap3A_328, %swap3A_329], %swap3A_332 {strides = array<i32>} : memref<8x1x1024xf32, #tpu.memory_space<vmem>>, vector<1x1x1024xf32>,
    %get3A_333 = arith.constant 7 : index
    %get3A_334 = arith.constant 0 : index
    %get3A_335 = arith.constant 0 : index
    %get3A_336 = vector.load %arg1[%get3A_333, %get3A_334, %get3A_335] : memref<8x1024x256xf32, #tpu.memory_space<vmem>>, vector<1x1024x256xf32>
    %get3A_337 = vector.shape_cast %get3A_336 : vector<1x1024x256xf32> to vector<1024x256xf32>
    %get3A_338 = arith.constant 0 : index
    %get3A_339 = arith.constant 0 : index
    %get3A_340 = vector.load %arg2[%get3A_338, %get3A_339] : memref<256x4xf32, #tpu.memory_space<vmem>>, vector<256x4xf32>
    %dot_general3A_341 = arith.constant dense<0.000000e+00> : vector<1024x4xf32>
    %dot_general3A_342 = tpu.matmul %get3A_337, %get3A_340, %dot_general3A_341 {dimension_numbers = #tpu.dot_dimension_numbers<[1], [0], [0], [1], [0, 0, 1, 1], [], []>, transpose_lhs_hint = false} : vector<1024x256xf32>, vector<256x4xf32>, vector<1024x4xf32> -> vector<1024x4xf32>
    %get3A_343 = arith.constant 0 : index
    %get3A_344 = arith.constant 0 : index
    %get3A_345 = vector.load %arg3[%get3A_343, %get3A_344] : memref<256x4xf32, #tpu.memory_space<vmem>>, vector<256x4xf32>
    %dot_general3A_346 = arith.constant dense<0.000000e+00> : vector<1024x4xf32>
    %dot_general3A_347 = tpu.matmul %get3A_337, %get3A_345, %dot_general3A_346 {dimension_numbers = #tpu.dot_dimension_numbers<[1], [0], [0], [1], [0, 0, 1, 1], [], []>, transpose_lhs_hint = false} : vector<1024x256xf32>, vector<256x4xf32>, vector<1024x4xf32> -> vector<1024x4xf32>
    %mul3A_348 = arith.constant 6.250000e-02 : f32
    %mul3A_349 = vector.broadcast %mul3A_348 : f32 to vector<1024x4xf32>
    %mul3A_350 = arith.mulf %dot_general3A_342, %mul3A_349 : vector<1024x4xf32>
    %dot_general3A_351 = arith.constant dense<0.000000e+00> : vector<1024x1024xf32>
    %dot_general3A_352 = tpu.matmul %mul3A_350, %dot_general3A_347, %dot_general3A_351 {dimension_numbers = #tpu.dot_dimension_numbers<[1], [1], [0], [0], [0, 0, 1, 0], [], []>, transpose_lhs_hint = false} : vector<1024x4xf32>, vector<1024x4xf32>, vector<1024x1024xf32> -> vector<1024x1024xf32>
    %swap3A_353 = arith.constant 0 : index
    %swap3A_354 = arith.constant 0 : index
    %swap3A_355 = vector.load %arg5[%swap3A_353, %swap3A_354] : memref<1024x1024xf32, #tpu.memory_space<vmem>>, vector<1024x1024xf32>
    tpu.vector_store %arg5[%swap3A_353, %swap3A_354], %dot_general3A_352 {strides = array<i32>} : memref<1024x1024xf32, #tpu.memory_space<vmem>>, vector<1024x1024xf32>,
    %reduce_max3A_356 = arith.constant dense<0xFF800000> : vector<1024xf32>
    %reduce_max3A_357 = vector.multi_reduction <maximumf>, %dot_general3A_352, %reduce_max3A_356 [1] : vector<1024x1024xf32> to vector<1024xf32>
    %broadcast_in_dim3A_358 = vector.shape_cast %reduce_max3A_357 : vector<1024xf32> to vector<1024x1xf32>
    %get3A_359 = arith.constant 0 : index
    %get3A_360 = arith.constant 0 : index
    %get3A_361 = vector.load %arg5[%get3A_359, %get3A_360] : memref<1024x1024xf32, #tpu.memory_space<vmem>>, vector<1024x1024xf32>
    %sub3A_362 = vector.broadcast %broadcast_in_dim3A_358 : vector<1024x1xf32> to vector<1024x1024xf32>
    %sub3A_363 = arith.subf %get3A_361, %sub3A_362 : vector<1024x1024xf32>
    %exp3A_364 = math.exp %sub3A_363 : vector<1024x1024xf32>
    %reduce_sum3A_365 = arith.constant dense<0.000000e+00> : vector<1024xf32>
    %reduce_sum3A_366 = vector.multi_reduction <add>, %exp3A_364, %reduce_sum3A_365 [1] : vector<1024x1024xf32> to vector<1024xf32>
    %broadcast_in_dim3A_367 = vector.shape_cast %reduce_sum3A_366 : vector<1024xf32> to vector<1024x1xf32>
    %div3A_368 = arith.constant 1.000000e+00 : f32
    %div3A_369 = vector.broadcast %div3A_368 : f32 to vector<1024x1xf32>
    %div3A_370 = arith.divf %div3A_369, %broadcast_in_dim3A_367 : vector<1024x1xf32>
    %mul3A_371 = vector.broadcast %div3A_370 : vector<1024x1xf32> to vector<1024x1024xf32>
    %mul3A_372 = arith.mulf %exp3A_364, %mul3A_371 : vector<1024x1024xf32>
    %reduce_sum3A_373 = arith.constant dense<0.000000e+00> : vector<1024xf32>
    %reduce_sum3A_374 = vector.multi_reduction <add>, %mul3A_372, %reduce_sum3A_373 [0] : vector<1024x1024xf32> to vector<1024xf32>
    %broadcast_in_dim3A_375 = vector.shape_cast %reduce_sum3A_374 : vector<1024xf32> to vector<1x1024xf32>
    %swap3A_376 = arith.constant 7 : index
    %swap3A_377 = arith.constant 0 : index
    %swap3A_378 = arith.constant 0 : index
    %swap3A_379 = vector.load %arg4[%swap3A_376, %swap3A_377, %swap3A_378] : memref<8x1x1024xf32, #tpu.memory_space<vmem>>, vector<1x1x1024xf32>
    %swap3A_380 = vector.shape_cast %swap3A_379 : vector<1x1x1024xf32> to vector<1x1024xf32>
    %swap3A_381 = vector.shape_cast %broadcast_in_dim3A_375 : vector<1x1024xf32> to vector<1x1x1024xf32>
    tpu.vector_store %arg4[%swap3A_376, %swap3A_377, %swap3A_378], %swap3A_381 {strides = array<i32>} : memref<8x1x1024xf32, #tpu.memory_space<vmem>>, vector<1x1x1024xf32>,
    return
  }
  func.func @transform_0(%arg0: i32) -> (i32, i32, i32) {
    %c0_i32 = arith.constant 0 : i32
    %c0_i32_0 = arith.constant 0 : i32
    %c0_i32_1 = arith.constant 0 : i32
    return %arg0, %c0_i32, %c0_i32_0 : i32, i32, i32
  }
  func.func @transform_1(%arg0: i32) -> (i32, i32) {
    %c0_i32 = arith.constant 0 : i32
    %c0_i32_0 = arith.constant 0 : i32
    %c0_i32_1 = arith.constant 0 : i32
    return %c0_i32, %c0_i32_0 : i32, i32
  }
  func.func @transform_2(%arg0: i32) -> (i32, i32) {
    %c0_i32 = arith.constant 0 : i32
    %c0_i32_0 = arith.constant 0 : i32
    %c0_i32_1 = arith.constant 0 : i32
    return %c0_i32, %c0_i32_0 : i32, i32
  }
  func.func @transform_3(%arg0: i32) -> (i32, i32, i32) {
    %c0_i32 = arith.constant 0 : i32
    %c0_i32_0 = arith.constant 0 : i32
    %c0_i32_1 = arith.constant 0 : i32
    return %arg0, %c0_i32, %c0_i32_0 : i32, i32, i32
  }
}

</mosaic_0001>

<sc_bundles>
// kernel: kernel.4.cloned.1.call-start
scs
__scs_entry_jumppad:
0x0: {  	(pc) =	sbr.rel $0x88, $3  }
0x1: {  	(tag) =	ssettag $0x0;
	lr =	simm.s32 $0x1  }
0x2: {  	[smem:$0x3F9E] =	sst lr;
	_ =	strace $0xD0000000  }
0x3: {  	_ = 	snop  }
0x4: {  	_ = 	snop  }
0x5: {  	_ = 	snop  }
0x6: {  	_ = 	snop  }
0x7: {  	_ = 	snop  }
__scs_overlays_trampoline_lowered:
0x8: {  	[smem:$0x3FAD] =	sst s0  }
0x9: {  	[smem:$0x3FAE] =	sst s1  }
0xa: {  	[smem:$0x3FAF] =	sst s2  }
0xb: {  	[smem:$0x3FB0] =	sst s3  }
0xc: {  	[smem:$0x3FB1] =	sst s4  }
0xd: {  	[smem:$0x3FB2] =	sst s5  }
0xe: {  	[smem:$0x3FB3] =	sst s6  }
0xf: {  	[smem:$0x3FB4] =	sst s7  }
0x10: {  	[smem:$0x3FB5] =	sst s8  }
0x11: {  	[smem:$0x3FB6] =	sst s9;
	s0 =	simm.s32 @!p0 $0x0  }
0x12: {  	s1 =	sld [smem:$0x3F9C];
	s0 =	simm.s32 @p0 $0x1  }
0x13: {  	[smem:$0x3FB7] =	sst s0;
	s0 =	simm.s32 @!p1 $0x0  }
0x14: {  	s2 =	sld [smem:$0x3F9B];
	s0 =	simm.s32 @p1 $0x1  }
0x15: {  	[smem:$0x3FB8] =	sst s0;
	s0 =	simm.s32 @!p2 $0x0  }
0x16: {  	s3 =	sld [smem:$0x3FDB];
	s0 =	simm.s32 @p2 $0x1  }
0x17: {  	s4 =	simm.s32 $0x1BF5;
	[smem:$0x3FBA] =	sst s0  }
0x18: {  	s0 =	sld [smem:$0x3F9D];
	_ =	swait.ge [sflag:s4], $0x0  }
0x19: {  	s7 =	sld [smem:$0x3F9E]  }
0x1a: {  	s8 =	sadd.s32 $0xFFFFE003, lr  }
0x1b: {  	s9 =	sadd.s32 $0xFFFFFEF7, lr;
	s5 =	simm.s32 $0xFFFFFFFF;
	p2 =	slt.u32 s8, $0xFFFFF086  }
0x1c: {  	p1 =	slt.u32 s9, $0xF7A;
	s5 =	simm.s32 @!p2 $0x0  }
0x1d: {  	s5 =	simm.s32 @p1 $0x1;
	p0 =	seq.s32 s7, s2  }
0x1e: {  	s7 =	smul.u32 @!p0 $0xF7A, s2;
	p2 =	seq.s32 @!p0 s5, $0x0  }
0x1f: {  	s9 =	smul.u32 $0xF7A, s1;
	s8 =	simm.s32 @!p0 $0x1BF5;
	p2 =	por !p2, p0  }
0x20: {  	[sflag:s8] =	ssyncset.s32 @!p0 $0xFFFFF086;
	s6 =	sadd.s32 @!p0 s3, s7;
	s7 =	simm.s32 @!p0 $0x108  }
0x21: {  	s3 =	sadd.s32 s3, s9;
	s6 =	sadd.s32 @!p0 $0x88, s6;
	s7 =	simm.s32 @p2 $0x1082  }
0x22: {  	[simem:s7], [sflag:s8] =	dma.local @!p0 [hbm:s6], $0xF7A  }
0x23: {  	s9 =	sor.u32 $0xD0000000, s2;
	s6 =	simm.s32 $0x108;
	_ =	swait.ge @!p0 [sflag:s8], $0x0  }
0x24: {  	s3 =	sadd.s32 $0x88, s3;
	s6 =	simm.s32 @!p1 $0x1082;
	[sflag:s4] =	ssyncset.s32 $0xFFFFF086  }
0x25: {  	[simem:s6], [sflag:s4] =	dma.local [hbm:s3], $0xF7A  }
0x26: {  	[smem:$0x3F9E] =	sst s1;
	(tag) =	ssettag s2;
	_ =	strace s9  }
0x27: {  	s1 =	sld [smem:$0x3FAE]  }
0x28: {  	s2 =	sld [smem:$0x3FAF]  }
0x29: {  	s4 =	sld [smem:$0x3FB1]  }
0x2a: {  	p0 =	seq.s32 s5, $0x0;
	s5 =	sld [smem:$0x3FB2]  }
0x2b: {  	s6 =	sld [smem:$0x3FB3]  }
0x2c: {  	s7 =	sld [smem:$0x3FB4]  }
0x2d: {  	s3 =	simm.s32 $0x108;
	s8 =	sld [smem:$0x3FB5]  }
0x2e: {  	s3 =	simm.s32 @!p0 $0x1082;
	s9 =	sld [smem:$0x3FB6]  }
0x2f: {  	lr =	sadd.s32 s0, s3;
	s0 =	sld [smem:$0x3FAD]  }
0x30: {  	s3 =	sld [smem:$0x3FB0]  }
0x31: {  	[smem:$0x3FB9] =	sst s10  }
0x32: {  	s10 =	sld [smem:$0x3FB7];
	_ =	sdelay $0x3  }
0x33: {  	p0 =	seq.s32 s10, $0x1;
	s10 =	sld [smem:$0x3FB9];
	_ =	sdelay $0x3  }
0x34: {  	[smem:$0x3FB9] =	sst s10  }
0x35: {  	s10 =	sld [smem:$0x3FB8];
	_ =	sdelay $0x3  }
0x36: {  	p1 =	seq.s32 s10, $0x1;
	s10 =	sld [smem:$0x3FB9];
	_ =	sdelay $0x3  }
0x37: {  	[smem:$0x3FB9] =	sst s10  }
0x38: {  	s10 =	sld [smem:$0x3FBA]  }
0x39: {  	_ = 	snop;
	(pc) =	sbr.ind lr, $3  }
0x3a: {  	_ = 	snop  }
0x3b: {  	_ = 	snop  }
0x3c: {  	p2 =	seq.s32 s10, $0x1;
	s10 =	sld [smem:$0x3FB9]  }
0x3d: {  	_ =	shalt  }
0x3e: {  	_ =	shalt  }
0x3f: {  	_ =	shalt  }
0x40: {  	_ =	shalt  }
0x41: {  	_ =	shalt  }
0x42: {  	_ =	shalt  }
0x43: {  	_ =	shalt  }
0x44: {  	_ =	shalt  }
0x45: {  	_ =	shalt  }
0x46: {  	_ =	shalt  }
0x47: {  	_ =	shalt  }
0x48: {  	_ =	shalt  }
0x49: {  	_ =	shalt  }
0x4a: {  	_ =	shalt  }
0x4b: {  	_ =	shalt  }
0x4c: {  	_ =	shalt  }
0x4d: {  	_ =	shalt  }
0x4e: {  	_ =	shalt  }
0x4f: {  	_ =	shalt  }
0x50: {  	_ =	shalt  }
0x51: {  	_ =	shalt  }
0x52: {  	_ =	shalt  }
0x53: {  	_ =	shalt  }
0x54: {  	_ =	shalt  }
0x55: {  	_ =	shalt  }
0x56: {  	_ =	shalt  }
0x57: {  	_ =	shalt  }
0x58: {  	_ =	shalt  }
0x59: {  	_ =	shalt  }
0x5a: {  	_ =	shalt  }
0x5b: {  	_ =	shalt  }
0x5c: {  	_ =	shalt  }
0x5d: {  	_ =	shalt  }
0x5e: {  	_ =	shalt  }
0x5f: {  	_ =	shalt  }
0x60: {  	_ =	shalt  }
0x61: {  	_ =	shalt  }
0x62: {  	_ =	shalt  }
0x63: {  	_ =	shalt  }
0x64: {  	_ =	shalt  }
0x65: {  	_ =	shalt  }
0x66: {  	_ =	shalt  }
0x67: {  	_ =	shalt  }
0x68: {  	_ =	shalt  }
0x69: {  	_ =	shalt  }
0x6a: {  	_ =	shalt  }
0x6b: {  	_ =	shalt  }
0x6c: {  	_ =	shalt  }
0x6d: {  	_ =	shalt  }
0x6e: {  	_ =	shalt  }
0x6f: {  	_ =	shalt  }
0x70: {  	_ =	shalt  }
0x71: {  	_ =	shalt  }
0x72: {  	_ =	shalt  }
0x73: {  	_ =	shalt  }
0x74: {  	_ =	shalt  }
0x75: {  	_ =	shalt  }
0x76: {  	_ =	shalt  }
0x77: {  	_ =	shalt  }
0x78: {  	_ =	shalt  }
0x79: {  	_ =	shalt  }
0x7a: {  	_ =	shalt  }
0x7b: {  	_ =	shalt  }
0x7c: {  	_ =	shalt  }
0x7d: {  	_ =	shalt  }
0x7e: {  	_ =	shalt  }
0x7f: {  	_ =	shalt  }
0x80: {  	_ =	shalt  }
0x81: {  	_ =	shalt  }
0x82: {  	_ =	shalt  }
0x83: {  	_ =	shalt  }
0x84: {  	_ =	shalt  }
0x85: {  	_ =	shalt  }
0x86: {  	_ =	shalt  }
0x87: {  	_ =	shalt  }
.Lfunc_end0:
.L_simem_size_0:
called_computation_lowered:
.L_overlay_start_0:
0x88: {  	s2 =	sld [smem:$0x3FD9]  }
0x89: {  	s3 =	sld [smem:$0x3FFE];
	_ =	sdelay $0x1  }
0x8a: {  	s1 =	srdreg.scid  }
0x8b: {  	s0 =	sand.u32 $0x1, s1  }
0x8c: {  	s17 =	sshll.u32 s0, $0xA;
	s2 =	sadd.s32 s3, s2  }
0x8d: {  	s2 =	sadd.s32 s2, s17  }
0x8e: {  	[smem:$0x3FC5] =	sst s2  }
0x8f: {  	_ = 	snop  }
0x90: {  	s2 =	sld [smem:$0x3FC9]  }
0x91: {  	s18 =	sld [smem:$0x3FD0];
	(tm) =	ssettm $0x1  }
0x92: {  	s4 =	sld [smem:$0x3FFB];
	_ =	sdelay $0x3  }
0x93: {  	_ =	strace s4  }
0x94: {  	s4 =	sld [smem:$0x3FFC];
	_ =	sdelay $0x3  }
0x95: {  	_ =	strace s4  }
0x96: {  	s4 =	sld [smem:$0x3FFD];
	_ =	sdelay $0x3  }
0x97: {  	_ =	strace s4  }
0x98: {  	_ =	strace $0x8FFFFFFF  }
0x99: {  	s19 =	sld [smem:$0x3FDB];
	_ =	sdelay $0x1  }
0x9a: {  	s5 =	simm.s32 $_scs_section_size  }
0x9b: {  	s6 =	simm.s32 $_size__tile_overlayer_lowered;
	s7 =	simm.s32 $_tile_overlayer_lowered  }
0x9c: {  	s22 =	simm.s32 $0x1BFF;
	s21 =	sshll.u32 s7, $0x1;
	s4 =	sadd.s32 s5, s19  }
0x9d: {  	s8 =	simm.s32 $0x0;
	s20 =	sshll.u32 s6, $0x1;
	s6 =	sadd.s32 s21, s4  }
0x9e: {  	[timem:s8], [sflag:s22] =	dma.local [hbm:s6], s20  }
0x9f: {  	_ =	swait.ge [sflag:s22], s20  }
0xa0: {  	s5 =	ssub.s32 $0x0, s20;
	[sflag:s22] =	ssyncset.done $0x0  }
0xa1: {  	[sflag:s22] =	ssyncadd.s32 s5;
	_ =	sdelay $0x1  }
0xa2: {  	s23 =	simm.s32 $0x1B8B  }
0xa3: {  	_ =	swait.ge [sflag:s23], $0x1  }
0xa4: {  	[sflag:s23] =	ssyncset.done $0x0  }
0xa5: {  	s25 =	simm.s32 $0x1B8E;
	s24 =	sld [smem:$0x3FFE];
	[sflag:s23] =	ssyncadd.s32 $0xFFFFFFFF  }
0xa6: {  	s26 =	simm.s32 $execute0_lowered;
	[smem:$0x3FD2] =	sst s25  }
0xa7: {  	s6 =	sshll.u32 s26, $0x1;
	_ =	strace $0x80000046;
	[dreg:$0x1] =	wrdreg $0xFFFFFFFF  }
0xa8: {  	s28 =	simm.s32 $_size_execute0_lowered;
	s4 =	sadd.s32 s4, s6;
	[dreg:$0x0] =	wrdreg $0x0  }
0xa9: {  	s6 =	sshll.u32 s28, $0x1;
	[dreg:$0x2] =	wrdreg s4  }
0xaa: {  	[dreg:$0x3] =	wrdreg s6  }
0xab: {  	[dreg:$0x4] =	wrdreg $0xC0  }
0xac: {  	_ =	task [dreg:s8], $0x5FFFF  }
0xad: {  	[dreg:$0x1] =	wrdreg $0xFFFFFFFF  }
0xae: {  	[dreg:$0x0] =	wrdreg $0x60  }
0xaf: {  	[dreg:$0x2] =	wrdreg s24  }
0xb0: {  	[dreg:$0x3] =	wrdreg s2  }
0xb1: {  	[dreg:$0x4] =	wrdreg s18  }
0xb2: {  	[dreg:$0x5] =	wrdreg $0x9  }
0xb3: {  	_ =	task.clear_ibuf [dreg:s8], $0x6FFFF;
	_ =	strace $0x90000046  }
0xb4: {  	s29 =	simm.s32 $0x9;
	_ =	strace $0x80000048  }
0xb5: {  	_ =	swait.ge [sflag:s29], $0x1  }
0xb6: {  	[sflag:s29] =	ssyncadd.s32 $0xFFFFFFFF  }
0xb7: {  	_ =	strace $0x90000048  }
0xb8: {  	_ =	sfence  }
0xb9: {  	s30 =	sld [smem:$0x0];
	_ =	sdelay $0x2  }
0xba: {  	s31 =	sshll.u32 s1, $0xD;
	s1 =	sshrl.u32 s1, $0x2  }
0xbb: {  	s3 =	sand.u32 $0x4000, s31;
	s1 =	sadd.s32 s1, s30  }
0xbc: {  	s0 =	sor.u32 s3, s0;
	s1 =	sshll.u32 s1, $0x11  }
0xbd: {  	s0 =	sor.u32 s1, s0  }
0xbe: {  	s0 =	sadd.s32 $0x8F2B, s0  }
0xbf: {  	[sflag:s0] =	ssyncadd.remote.s32 $0x1  }
0xc0: {  	_ =	sfence.sel $0xFFFF  }
0xc1: {  	[dreg:$0x0] =	wrdreg $0xFFFFFFFF;
	(pc) =	sbr.abs _section_cstart, $3  }
0xc2: {  	[dreg:$0x1] =	wrdreg $0xFFFFFFFF  }
0xc3: {  	_ =	task.clear_ibuf [dreg:s8], $0x2FFFF;
	_ =	strace $0x9FFFFFFF  }
0xc4: {  	(tm) =	ssettm $0x7FFFFFFF  }
0xc5: {  	_ =	shalt  }
tec
execute0_lowered:
.L_overlay_start_1:
0x0: {  	(tag) =	ssettag $0x1  }
0x1: {  	v0 =	vlaneseq.u32  }
0x2: {  	v1 =	vmul.u32 $0x10, v0  }
0x3: {  	vm0 =	vmmov $0xffff;
	v4 =	vimm.f32 $-Inf  }
0x4: {  	v3 =	vor.u32 $0x1, v1;
	v12 =	vor.u32 $0xA, v1;
	v13 =	vor.u32 $0xB, v1  }
0x5: {  	v14 =	vor.u32 $0xC, v1;
	v15 =	vor.u32 $0xD, v1;
	v16 =	vor.u32 $0xE, v1  }
0x6: {  	v17 =	vor.u32 $0xF, v1;
	v18 =	vor.u32 $0x100, v1;
	v19 =	vor.u32 $0x101, v1  }
0x7: {  	v20 =	vor.u32 $0x102, v1;
	v21 =	vor.u32 $0x103, v1;
	v22 =	vor.u32 $0x104, v1  }
0x8: {  	v23 =	vor.u32 $0x105, v1;
	v24 =	vor.u32 $0x106, v1;
	v25 =	vor.u32 $0x107, v1  }
0x9: {  	v26 =	vor.u32 $0x108, v1;
	v27 =	vor.u32 $0x109, v1;
	v28 =	vor.u32 $0x10A, v1  }
0xa: {  	v29 =	vor.u32 $0x10B, v1;
	v30 =	vor.u32 $0x10C, v1;
	v31 =	vor.u32 $0x10D, v1  }
0xb: {  	v32 =	vor.u32 $0x10E, v1;
	v33 =	vor.u32 $0x10F, v1;
	v34 =	vor.u32 $0x200, v1  }
0xc: {  	s6 =	rddreg [dreg:$0x0];
	v35 =	vor.u32 $0x201, v1;
	v36 =	vor.u32 $0x202, v1;
	v37 =	vor.u32 $0x203, v1  }
0xd: {  	s1 =	srdreg.scid;
	s7 =	rddreg [dreg:$0x2];
	v38 =	vor.u32 $0x204, v1;
	v39 =	vor.u32 $0x205, v1;
	v40 =	vor.u32 $0x206, v1  }
0xe: {  	s0 =	stileid.u32;
	s2 =	rddreg [dreg:$0x3];
	v41 =	vor.u32 $0x207, v1;
	v42 =	vor.u32 $0x208, v1;
	v43 =	vor.u32 $0x209, v1  }
0xf: {  	s3 =	simm.s32 $0x0;
	s9 =	simm.s32 $0x400;
	s10 =	simm.s32 $0x500;
	v44 =	vor.u32 $0x20A, v1;
	v45 =	vor.u32 $0x20B, v1;
	[tilespmem:$0x1FF70] =	vst v3;
	v3 =	vor.u32 $0x2, v1  }
0x10: {  	s11 =	simm.s32 $0xD00;
	s12 =	simm.s32 $0x1500;
	s13 =	simm.s32 $0x1D00;
	v46 =	vor.u32 $0x20C, v1;
	v47 =	vor.u32 $0x20D, v1;
	[tilespmem:$0x1FF80] =	vst v3;
	v3 =	vor.u32 $0x3, v1  }
0x11: {  	s14 =	simm.s32 $0x2500;
	s15 =	simm.s32 $0x2D00;
	s16 =	simm.s32 $0x3500;
	v48 =	vor.u32 $0x20E, v1;
	v49 =	vor.u32 $0x20F, v1;
	[tilespmem:$0x1FF90] =	vst v3;
	v3 =	vor.u32 $0x4, v1  }
0x12: {  	s17 =	simm.s32 $0x3D00;
	s4 =	sand.u32 $0x1, s1;
	s30 =	sshll.u32 s0, $0x1;
	v50 =	vor.u32 $0x300, v1;
	v51 =	vor.u32 $0x301, v1;
	[tilespmem:$0x1FFA0] =	vst v3;
	v3 =	vor.u32 $0x5, v1  }
0x13: {  	s18 =	simm.s32 $0x1;
	s19 =	simm.s32 $0x0;
	s5 =	sor.u32 s4, s30;
	v52 =	vor.u32 $0x302, v1;
	v53 =	vor.u32 $0x303, v1;
	[tilespmem:$0x1FFB0] =	vst v3;
	v3 =	vor.u32 $0x6, v1  }
0x14: {  	[smem:$0x7FF] =	sst s3;
	s4 =	ssub.s32 $0x2, s4;
	s1 =	sshll.u32 s5, $0xA;
	v54 =	vor.u32 $0x304, v1;
	v55 =	vor.u32 $0x305, v1;
	[tilespmem:$0x1FFC0] =	vst v3;
	v3 =	vor.u32 $0x7, v1  }
0x15: {  	s8 =	sshll.u32 s5, $0x7;
	s31 =	sshrl.u32 s4, $0x1;
	s5 =	sshll.u32 s5, $0xB;
	v56 =	vor.u32 $0x306, v1;
	v57 =	vor.u32 $0x307, v1;
	[tilespmem:$0x1FFD0] =	vst v3;
	v3 =	vor.u32 $0x8, v1  }
0x16: {  	v58 =	vor.u32 $0x308, v1;
	v2 =	vmov s1;
	s1 =	rddreg [dreg:$0x1];
	s6 =	sadd.s32 s8, s6;
	s8 =	ssub.s32 s4, s31;
	[tilespmem:$0x1FFE0] =	vst v3;
	v3 =	vor.u32 $0x9, v1  }
0x17: {  	v59 =	vor.u32 $0x309, v1;
	v60 =	vor.u32 $0x30A, v1;
	v61 =	vor.u32 $0x30B, v1;
	s5 =	sadd.s32 s7, s5;
	s7 =	simm.s32 $0x2;
	s4 =	sadd.s32 $0x600, s6;
	[tilespmem:$0x1FFF0] =	vst v3  }
0x18: {  	v62 =	vor.u32 $0x30C, v1;
	v63 =	vor.u32 $0x30D, v1;
	s6 =	smax.u32 s8, $0x1;
	s8 =	simm.s32 $0x480;
	v3 =	vor.u32 $0x30E, v1;
	_ =	strace $0x80000047  }
.LBB2_1:
0x19: {  	[tilespmem:s3], [sflag:$0x2] =	stream.linear.gather [hbm4b:s4+s3], $0x400, $0x38;
	[tilespmem:$0x4500] =	vst v63  }
0x1a: {  	_ =	swait.ge [sflag:s7], $0x400  }
0x1b: {  	v6 =	vld [tilespmem:$0x1FF70]  }
0x1c: {  	v7 =	vld [tilespmem:$0x1FF80]  }
0x1d: {  	v8 =	vld [tilespmem:$0x1FF90]  }
0x1e: {  	v9 =	vld [tilespmem:$0x1FFA0];
	_ =	sdelay $0x1  }
0x1f: {  	[sflag:s7] =	ssyncset.done $0x0  }
0x20: {  	[sflag:s7] =	ssyncadd.s32 $0xFFFFFC00  }
0x21: {  	v5 =	vld.idx.msk [tilespmem:v1+s3+$0x0], $0xffff  }
0x22: {  	v6 =	vld.idx.msk [tilespmem:v6+s3+$0x0], $0xffff  }
0x23: {  	v7 =	vld.idx.msk [tilespmem:v7+s3+$0x0], $0xffff  }
0x24: {  	v8 =	vld.idx.msk [tilespmem:v8+s3+$0x0], $0xffff  }
0x25: {  	v9 =	vld.idx.msk [tilespmem:v9+s3+$0x0], $0xffff  }
0x26: {  	v10 =	vld [tilespmem:$0x1FFB0]  }
0x27: {  	v5 =	vmax.f32 v5, v6;
	v6 =	vld [tilespmem:$0x1FFC0]  }
0x28: {  	v5 =	vmax.f32 v5, v7;
	v7 =	vld [tilespmem:$0x1FFD0]  }
0x29: {  	v5 =	vmax.f32 v5, v8;
	v8 =	vld [tilespmem:$0x1FFE0]  }
0x2a: {  	v5 =	vmax.f32 v5, v9;
	v9 =	vld [tilespmem:$0x1FFF0];
	_ =	sdelay $0x3  }
0x2b: {  	v10 =	vld.idx.msk [tilespmem:v10+s3+$0x0], $0xffff  }
0x2c: {  	v6 =	vld.idx.msk [tilespmem:v6+s3+$0x0], $0xffff  }
0x2d: {  	v7 =	vld.idx.msk [tilespmem:v7+s3+$0x0], $0xffff  }
0x2e: {  	v8 =	vld.idx.msk [tilespmem:v8+s3+$0x0], $0xffff  }
0x2f: {  	v9 =	vld.idx.msk [tilespmem:v9+s3+$0x0], $0xffff  }
0x30: {  	v5 =	vmax.f32 v5, v10;
	v10 =	vld.idx.msk [tilespmem:v12+s3+$0x0], $0xffff  }
0x31: {  	v5 =	vmax.f32 v5, v6;
	v6 =	vld.idx.msk [tilespmem:v13+s3+$0x0], $0xffff  }
0x32: {  	v5 =	vmax.f32 v5, v7;
	v7 =	vld.idx.msk [tilespmem:v14+s3+$0x0], $0xffff  }
0x33: {  	v5 =	vmax.f32 v5, v8;
	v8 =	vld.idx.msk [tilespmem:v15+s3+$0x0], $0xffff  }
0x34: {  	v5 =	vmax.f32 v5, v9;
	v9 =	vld.idx.msk [tilespmem:v16+s3+$0x0], $0xffff  }
0x35: {  	v5 =	vmax.f32 v5, v10;
	v10 =	vld.idx.msk [tilespmem:v17+s3+$0x0], $0xffff  }
0x36: {  	v5 =	vmax.f32 v5, v6  }
0x37: {  	v5 =	vmax.f32 v5, v7  }
0x38: {  	v5 =	vmax.f32 v5, v8  }
0x39: {  	v5 =	vmax.f32 v5, v9  }
0x3a: {  	v5 =	vmax.f32 v5, v10  }
0x3b: {  	[tilespmem:$0x400] =	vst v5  }
0x3c: {  	v5 =	vld.idx.msk [tilespmem:v18+s3+$0x0], $0xffff  }
0x3d: {  	v6 =	vld.idx.msk [tilespmem:v19+s3+$0x0], $0xffff  }
0x3e: {  	v7 =	vld.idx.msk [tilespmem:v20+s3+$0x0], $0xffff  }
0x3f: {  	v8 =	vld.idx.msk [tilespmem:v21+s3+$0x0], $0xffff  }
0x40: {  	v9 =	vld.idx.msk [tilespmem:v22+s3+$0x0], $0xffff  }
0x41: {  	v10 =	vld.idx.msk [tilespmem:v23+s3+$0x0], $0xffff  }
0x42: {  	v5 =	vmax.f32 v5, v6;
	v6 =	vld.idx.msk [tilespmem:v24+s3+$0x0], $0xffff  }
0x43: {  	v5 =	vmax.f32 v5, v7;
	v7 =	vld.idx.msk [tilespmem:v25+s3+$0x0], $0xffff  }
0x44: {  	v5 =	vmax.f32 v5, v8;
	v8 =	vld.idx.msk [tilespmem:v26+s3+$0x0], $0xffff  }
0x45: {  	v5 =	vmax.f32 v5, v9;
	v9 =	vld.idx.msk [tilespmem:v27+s3+$0x0], $0xffff  }
0x46: {  	v5 =	vmax.f32 v5, v10;
	v10 =	vld.idx.msk [tilespmem:v28+s3+$0x0], $0xffff  }
0x47: {  	v5 =	vmax.f32 v5, v6;
	v6 =	vld.idx.msk [tilespmem:v29+s3+$0x0], $0xffff  }
0x48: {  	v5 =	vmax.f32 v5, v7;
	v7 =	vld.idx.msk [tilespmem:v30+s3+$0x0], $0xffff  }
0x49: {  	v5 =	vmax.f32 v5, v8;
	v8 =	vld.idx.msk [tilespmem:v31+s3+$0x0], $0xffff  }
0x4a: {  	v5 =	vmax.f32 v5, v9;
	v9 =	vld.idx.msk [tilespmem:v32+s3+$0x0], $0xffff  }
0x4b: {  	v5 =	vmax.f32 v5, v10;
	v10 =	vld.idx.msk [tilespmem:v33+s3+$0x0], $0xffff  }
0x4c: {  	v5 =	vmax.f32 v5, v6  }
0x4d: {  	v5 =	vmax.f32 v5, v7  }
0x4e: {  	v5 =	vmax.f32 v5, v8  }
0x4f: {  	v5 =	vmax.f32 v5, v9  }
0x50: {  	v5 =	vmax.f32 v5, v10  }
0x51: {  	[tilespmem:$0x410] =	vst v5  }
0x52: {  	v5 =	vld.idx.msk [tilespmem:v34+s3+$0x0], $0xffff  }
0x53: {  	v6 =	vld.idx.msk [tilespmem:v35+s3+$0x0], $0xffff  }
0x54: {  	v7 =	vld.idx.msk [tilespmem:v36+s3+$0x0], $0xffff  }
0x55: {  	v8 =	vld.idx.msk [tilespmem:v37+s3+$0x0], $0xffff  }
0x56: {  	v9 =	vld.idx.msk [tilespmem:v38+s3+$0x0], $0xffff  }
0x57: {  	v10 =	vld.idx.msk [tilespmem:v39+s3+$0x0], $0xffff  }
0x58: {  	v5 =	vmax.f32 v5, v6;
	v6 =	vld.idx.msk [tilespmem:v40+s3+$0x0], $0xffff  }
0x59: {  	v5 =	vmax.f32 v5, v7;
	v7 =	vld.idx.msk [tilespmem:v41+s3+$0x0], $0xffff  }
0x5a: {  	v5 =	vmax.f32 v5, v8;
	v8 =	vld.idx.msk [tilespmem:v42+s3+$0x0], $0xffff  }
0x5b: {  	v5 =	vmax.f32 v5, v9;
	v9 =	vld.idx.msk [tilespmem:v43+s3+$0x0], $0xffff  }
0x5c: {  	v5 =	vmax.f32 v5, v10;
	v10 =	vld.idx.msk [tilespmem:v44+s3+$0x0], $0xffff  }
0x5d: {  	v5 =	vmax.f32 v5, v6;
	v6 =	vld.idx.msk [tilespmem:v45+s3+$0x0], $0xffff  }
0x5e: {  	v5 =	vmax.f32 v5, v7;
	v7 =	vld.idx.msk [tilespmem:v46+s3+$0x0], $0xffff  }
0x5f: {  	v5 =	vmax.f32 v5, v8;
	v8 =	vld.idx.msk [tilespmem:v47+s3+$0x0], $0xffff  }
0x60: {  	v5 =	vmax.f32 v5, v9;
	v9 =	vld.idx.msk [tilespmem:v48+s3+$0x0], $0xffff  }
0x61: {  	v5 =	vmax.f32 v5, v10;
	v10 =	vld.idx.msk [tilespmem:v49+s3+$0x0], $0xffff  }
0x62: {  	v5 =	vmax.f32 v5, v6  }
0x63: {  	v5 =	vmax.f32 v5, v7  }
0x64: {  	v5 =	vmax.f32 v5, v8  }
0x65: {  	v5 =	vmax.f32 v5, v9  }
0x66: {  	v5 =	vmax.f32 v5, v10  }
0x67: {  	[tilespmem:$0x420] =	vst v5  }
0x68: {  	v5 =	vld.idx.msk [tilespmem:v50+s3+$0x0], $0xffff  }
0x69: {  	v6 =	vld.idx.msk [tilespmem:v51+s3+$0x0], $0xffff  }
0x6a: {  	v7 =	vld.idx.msk [tilespmem:v52+s3+$0x0], $0xffff  }
0x6b: {  	v8 =	vld.idx.msk [tilespmem:v53+s3+$0x0], $0xffff  }
0x6c: {  	v9 =	vld.idx.msk [tilespmem:v54+s3+$0x0], $0xffff  }
0x6d: {  	v10 =	vld.idx.msk [tilespmem:v55+s3+$0x0], $0xffff  }
0x6e: {  	v5 =	vmax.f32 v5, v6;
	v6 =	vld.idx.msk [tilespmem:v56+s3+$0x0], $0xffff  }
0x6f: {  	v5 =	vmax.f32 v5, v7;
	v7 =	vld.idx.msk [tilespmem:v57+s3+$0x0], $0xffff  }
0x70: {  	v5 =	vmax.f32 v5, v8;
	v8 =	vld.idx.msk [tilespmem:v58+s3+$0x0], $0xffff  }
0x71: {  	v5 =	vmax.f32 v5, v9;
	v9 =	vld.idx.msk [tilespmem:v59+s3+$0x0], $0xffff  }
0x72: {  	v11 =	vor.u32 $0x30F, v1;
	v5 =	vmax.f32 v5, v10;
	v10 =	vld.idx.msk [tilespmem:v60+s3+$0x0], $0xffff  }
0x73: {  	v5 =	vmax.f32 v5, v6;
	v6 =	vld.idx.msk [tilespmem:v61+s3+$0x0], $0xffff  }
0x74: {  	v5 =	vmax.f32 v5, v7;
	v7 =	vld.idx.msk [tilespmem:v62+s3+$0x0], $0xffff  }
0x75: {  	v5 =	vmax.f32 v5, v8;
	v8 =	vld.idx.msk [tilespmem:v63+s3+$0x0], $0xffff  }
0x76: {  	v5 =	vmax.f32 v5, v9;
	v9 =	vld.idx.msk [tilespmem:v3+s3+$0x0], $0xffff  }
0x77: {  	v5 =	vmax.f32 v5, v10;
	v10 =	vld.idx.msk [tilespmem:v11+s3+$0x0], $0xffff  }
0x78: {  	v5 =	vmax.f32 v5, v6  }
0x79: {  	v5 =	vmax.f32 v5, v7  }
0x7a: {  	v5 =	vmax.f32 v5, v8  }
0x7b: {  	v5 =	vmax.f32 v5, v9  }
0x7c: {  	v5 =	vmax.f32 v5, v10  }
0x7d: {  	s20 =	simm.s32 $0x0;
	[tilespmem:$0x430] =	vst v5  }
.LBB2_2:
0x7e: {  	v5 =	vld [tilespmem:$0x400]  }
0x7f: {  	v6 =	vld [tilespmem:$0x410]  }
0x80: {  	v7 =	vld [tilespmem:$0x420]  }
0x81: {  	v8 =	vld [tilespmem:$0x430];
	_ =	sdelay $0x4  }
0x82: {  	v9 =	vmax.f32 v5, v6;
	v10 =	vmax.f32 v7, v8  }
0x83: {  	v9 =	vmax.f32 v9, v10  }
0x84: {  	(xrf0) =	vmax.scan.msk.f32 $0xffff, v9;
	_ =	sdelay $0x5  }
0x85: {  	v9, _, _ =	vpop (xrf0)  }
0x86: {  	v9 =	vbroadcast v9, $0xF;
	_ =	sdelay $0x1  }
0x87: {  	vm1 =	veq.f32 v5, v9;
	vm2 =	veq.f32 v7, v9;
	vm3 =	veq.f32 v8, v9  }
0x88: {  	v5 =	vmctz.xlane vm2;
	vm2 =	veq.f32 v6, v9;
	v6 =	vmctz.xlane vm3  }
0x89: {  	v7 =	vmctz.xlane vm1;
	v8 =	vmctz.xlane vm2  }
0x8a: {  	vm1 =	vlt.s32 v5, $0x10;
	v5 =	vadd.s32 $0x20, v5;
	v6 =	vadd.s32 $0x30, v6  }
0x8b: {  	vm2 =	vlt.s32 v8, $0x10;
	v8 =	vadd.s32 $0x10, v8;
	v5 =	vsel vm1, v5, v6  }
0x8c: {  	vm1 =	vlt.s32 v7, $0x10;
	v5 =	vsel vm2, v8, v5  }
0x8d: {  	v5 =	vsel vm1, v7, v5  }
0x8e: {  	v6 =	vshll.u32 v5, $0x4  }
0x8f: {  	v7 =	vor.u32 v0, v6;
	_ =	sdelay $0x4  }
0x90: {  	v8 =	vld.idx.msk [tilespmem:v7+s3+$0x0], $0xffff;
	_ =	sdelay $0x4  }
0x91: {  	vm1 =	veq.f32 v8, v9  }
0x92: {  	v8 =	vmctz.xlane vm1  }
0x93: {  	v9 =	vmov s20  }
0x94: {  	v6 =	vadd.s32 v8, v6;
	_ =	sdelay $0x2  }
0x95: {  	v8 =	vadd.s32 v2, v6  }
0x96: {  	[tilespmem:v9+s8+$0x0] =	vst.idx.msk $0x1, v8  }
0x97: {  	[tilespmem:v6+s3+$0x0] =	vst.idx.msk $0x1, v4  }
0x98: {  	v6 =	vld.idx.msk [tilespmem:v7+s3+$0x0], $0xffff;
	_ =	sdelay $0x4  }
0x99: {  	(xrf0) =	vmax.scan.msk.f32 $0xffff, v6;
	_ =	sdelay $0x3  }
0x9a: {  	p0 =	sne.s32 s20, $0x3F  }
.Ltmp0:
0x9b: {  	_ = 	snop;
	(pc) =	sbr.rel @p0 .LBB2_2-.Ltmp0, $3  }
0x9c: {  	v6, _, _ =	vpop (xrf0)  }
0x9d: {  	v6 =	vbroadcast v6, $0xF;
	_ =	sdelay $0x1  }
0x9e: {  	s20 =	sadd.s32 $0x1, s20;
	[tilespmem:v5+s9+$0x0] =	vst.idx.msk $0x1, v6  }
0x9f: {  	v5 =	vld [tilespmem:$0x480];
	_ =	sdelay $0x4  }
0xa0: {  	v6 =	vshll.u32 v5, $0x1  }
0xa1: {  	v5 =	vand.u32 $0x7, v5;
	v6 =	vand.u32 $0xFFFFFFF0, v6  }
0xa2: {  	v7 =	vshrl.u32 v0, $0x3;
	v5 =	vor.u32 v5, v6;
	v6 =	vand.u32 $0x7, v0  }
0xa3: {  	v7 =	vmul.u32 $0x8, v7;
	v8 =	vperm.xlane v5, v6  }
0xa4: {  	v9 =	vor.u32 $0x8, v0  }
0xa5: {  	v5 =	vperm.xlane v5, v9;
	v8 =	vadd.s32 v7, v8;
	_ =	sdelay $0x1  }
0xa6: {  	v5 =	vadd.s32 v7, v5;
	_ =	sdelay $0x2  }
0xa7: {  	[tilespmem:s10], [sflag:$0x1] =	stream.indirect_vreg.gather [hbm4b:s1+s3], $0x80, v8, vm0, $0xb8;
	[tilespmem:$0x4500] =	vst v63  }
0xa8: {  	_ = 	snop  }
0xa9: {  	[tilespmem:s11], [sflag:$0x1] =	stream.indirect_vreg.gather [hbm4b:s1+s3], $0x80, v5, vm0, $0xb8;
	[tilespmem:$0x4500] =	vst v63  }
0xaa: {  	v5 =	vld [tilespmem:$0x490];
	_ =	sdelay $0x4  }
0xab: {  	v8 =	vshll.u32 v5, $0x1  }
0xac: {  	v5 =	vand.u32 $0x7, v5;
	v8 =	vand.u32 $0xFFFFFFF0, v8  }
0xad: {  	v5 =	vor.u32 v5, v8  }
0xae: {  	v8 =	vperm.xlane v5, v6;
	_ =	sdelay $0x1  }
0xaf: {  	v5 =	vperm.xlane v5, v9;
	v8 =	vadd.s32 v7, v8;
	_ =	sdelay $0x1  }
0xb0: {  	v5 =	vadd.s32 v7, v5;
	_ =	sdelay $0x2  }
0xb1: {  	[tilespmem:s12], [sflag:$0x1] =	stream.indirect_vreg.gather [hbm4b:s1+s3], $0x80, v8, vm0, $0xb8;
	[tilespmem:$0x4500] =	vst v63  }
0xb2: {  	_ = 	snop  }
0xb3: {  	[tilespmem:s13], [sflag:$0x1] =	stream.indirect_vreg.gather [hbm4b:s1+s3], $0x80, v5, vm0, $0xb8;
	[tilespmem:$0x4500] =	vst v63  }
0xb4: {  	v5 =	vld [tilespmem:$0x4A0];
	_ =	sdelay $0x4  }
0xb5: {  	v8 =	vshll.u32 v5, $0x1  }
0xb6: {  	v5 =	vand.u32 $0x7, v5;
	v8 =	vand.u32 $0xFFFFFFF0, v8  }
0xb7: {  	v5 =	vor.u32 v5, v8  }
0xb8: {  	v8 =	vperm.xlane v5, v6;
	_ =	sdelay $0x1  }
0xb9: {  	v5 =	vperm.xlane v5, v9;
	v8 =	vadd.s32 v7, v8;
	_ =	sdelay $0x1  }
0xba: {  	v5 =	vadd.s32 v7, v5;
	_ =	sdelay $0x2  }
0xbb: {  	[tilespmem:s14], [sflag:$0x1] =	stream.indirect_vreg.gather [hbm4b:s1+s3], $0x80, v8, vm0, $0xb8;
	[tilespmem:$0x4500] =	vst v63  }
0xbc: {  	_ = 	snop  }
0xbd: {  	[tilespmem:s15], [sflag:$0x1] =	stream.indirect_vreg.gather [hbm4b:s1+s3], $0x80, v5, vm0, $0xb8;
	[tilespmem:$0x4500] =	vst v63  }
0xbe: {  	v5 =	vld [tilespmem:$0x4B0];
	_ =	sdelay $0x4  }
0xbf: {  	v8 =	vshll.u32 v5, $0x1  }
0xc0: {  	v5 =	vand.u32 $0x7, v5;
	v8 =	vand.u32 $0xFFFFFFF0, v8  }
0xc1: {  	v5 =	vor.u32 v5, v8  }
0xc2: {  	v6 =	vperm.xlane v5, v6;
	_ =	sdelay $0x1  }
0xc3: {  	v5 =	vperm.xlane v5, v9;
	v6 =	vadd.s32 v7, v6;
	_ =	sdelay $0x1  }
0xc4: {  	v5 =	vadd.s32 v7, v5;
	_ =	sdelay $0x2  }
0xc5: {  	[tilespmem:s16], [sflag:$0x1] =	stream.indirect_vreg.gather [hbm4b:s1+s3], $0x80, v6, vm0, $0xb8;
	[tilespmem:$0x4500] =	vst v63  }
0xc6: {  	_ = 	snop  }
0xc7: {  	[tilespmem:s17], [sflag:$0x1] =	stream.indirect_vreg.gather [hbm4b:s1+s3], $0x80, v5, vm0, $0xb8;
	[tilespmem:$0x4500] =	vst v63  }
0xc8: {  	s19 =	sadd.s32 $0x1, s19;
	_ =	swait.ge [sflag:s18], $0x4000  }
0xc9: {  	p0 =	sne.s32 s19, s6;
	[sflag:s18] =	ssyncset.done $0x0  }
.Ltmp1:
0xca: {  	[sflag:s18] =	ssyncadd.s32 $0xFFFFC000;
	(pc) =	sbr.rel @p0 .LBB2_1-.Ltmp1, $4  }
0xcb: {  	[hbm4b:s5+s3] =	stream.linear.scatter [tilespmem:s10], [sflag:$0x2], $0x4000, $0x38;
	[tilespmem:$0x4500] =	vst v63  }
0xcc: {  	_ =	swait.ge [sflag:s7], $0x4000  }
0xcd: {  	[sflag:s7] =	ssyncset.done $0x0  }
0xce: {  	[sflag:s7] =	ssyncadd.s32 $0xFFFFC000  }
0xcf: {  	_ =	sfence.sel $0x180000  }
0xd0: {  	[bflag:$0x0] =	sbarrier.arrive $0xFFFF  }
0xd1: {  	p0 =	sne.s32 s0, $0x0;
	_ =	strace $0x90000047  }
0xd2: {  	s0 =	sadd.s32 @!p0 $0x100000, s2;
	[bflag:$0x2] =	sbarrier.arrive $0xFFFF  }
0xd3: {  	[sflag:s0] =	ssyncadd.tile.s32 @!p0 $0x1;
	_ =	shalt  }
.Lfunc_end2:
_tile_overlayer_lowered:
.L_overlay_start_2:
0xd4: {  	(tag) =	ssettag $0x2  }
0xd5: {  	s0 =	rddreg [dreg:$0x0];
	s2 =	stileid.u32  }
0xd6: {  	s1 =	rddreg [dreg:$0x1];
	p0 =	sne.s32 s2, $0x0  }
0xd7: {  	s3 =	rddreg [dreg:$0x2];
	[bflag:$0x3] =	sbarrier.arrive $0xFFFF;
	s2 =	simm.s32 @!p0 $0x1C02  }
0xd8: {  	[timem:s3], [sflag:s2] =	dma.local @!p0 [hbm:s0], s1  }
0xd9: {  	s0 =	simm.s32 @!p0 $0x2  }
0xda: {  	_ =	swait.ge @!p0 [sflag:s0], s1  }
0xdb: {  	s1 =	ssub.s32 @!p0 $0x0, s1;
	[sflag:s0] =	ssyncset.done @!p0 $0x0  }
0xdc: {  	[sflag:s0] =	ssyncadd.s32 @!p0 s1  }
0xdd: {  	[bflag:$0x3] =	sbarrier.arrive $0xFFFF  }
0xde: {  	_ =	shalt  }

</sc_bundles>
